<compile_context>
chip_gen: v7x
topology: tpu7x:2x2x1
jax: 0.10.2.dev20260603
libtpu: 0.0.44.dev20260713+nightly
codegen_flags: <defaults>
</compile_context>

<pallas_src>
import functools

import jax
import jax.numpy as jnp
from jax import lax
from jax.experimental import pallas as pl
from jax.experimental.pallas import tpu as pltpu
from jax.experimental.pallas import tpu_sc as plsc
from jax.experimental.layout import Layout, with_layout_constraint

VOCAB = 1000000
EMBED = 64
SEQ = 200
BATCH = 1024

NC = 2
NS = 16
L = 16
NW = NC * NS
TOK = BATCH * SEQ
ROWS_W = BATCH // NW
RC = 4
C = RC * SEQ
NCHUNK = ROWS_W // RC
GATHER_SPLITS = ((0, 80), (80, 80), (160, 40))


def _prep_body(seg_tab_ref, pos_ref, seg_lab_ref, combo_ref, cidx_ref):
    combo = seg_tab_ref[:][:, None, :] + pos_ref[:][None, :, :]
    combo_ref[:] = combo.reshape(5 * SEQ, EMBED)
    pos_ids = lax.broadcasted_iota(jnp.int32, (BATCH, SEQ), 1)
    cidx_ref[:] = seg_lab_ref[:] * SEQ + pos_ids


_prep = pl.pallas_call(
    _prep_body,
    out_shape=(
        jax.ShapeDtypeStruct((5 * SEQ, EMBED), jnp.float32),
        jax.ShapeDtypeStruct((BATCH, SEQ), jnp.int32),
    ),
)


def _sc_body(seq_hbm, cidx_hbm, tok_tab, combo_hbm, out_hbm,
             tidx_v, cidx_v, tok_v, cmb_v, sem_t, sem_c):
    wid = lax.axis_index("s") * NC + lax.axis_index("c")

    def chunk(i, carry):
        row0 = wid * ROWS_W + i * RC
        tok0 = row0 * SEQ
        pltpu.sync_copy(seq_hbm.at[pl.ds(tok0, C)], tidx_v)
        pltpu.sync_copy(cidx_hbm.at[pl.ds(tok0, C)], cidx_v)
        descs = []
        for b in range(RC):
            for l0, sz in GATHER_SPLITS:
                isl = pl.ds(b * SEQ + l0, sz)
                dsl = pl.ds(l0, sz)
                descs.append(pltpu.async_copy(
                    tok_tab.at[tidx_v.at[isl]], tok_v.at[b, dsl], sem_t))
                descs.append(pltpu.async_copy(
                    combo_hbm.at[cidx_v.at[isl]], cmb_v.at[b, dsl], sem_c))
        for d in descs:
            d.wait()

        def add_row(l, c2):
            for b in range(RC):
                for j in range(EMBED // L):
                    sl = pl.ds(j * L, L)
                    tok_v[b, l, sl] = tok_v[b, l, sl] + cmb_v[b, l, sl]
            return c2

        lax.fori_loop(0, SEQ, add_row, 0)
        pltpu.sync_copy(tok_v, out_hbm.at[pl.ds(row0, RC)])
        return carry

    lax.fori_loop(0, NCHUNK, chunk, 0)


_sc_embed = functools.partial(
    pl.kernel,
    out_type=jax.ShapeDtypeStruct((BATCH, SEQ, EMBED), jnp.float32),
    mesh=plsc.VectorSubcoreMesh(core_axis_name="c", subcore_axis_name="s"),
    compiler_params=pltpu.CompilerParams(use_tc_tiling_on_sc=False),
    scratch_types=[
        pltpu.VMEM((C,), jnp.int32),
        pltpu.VMEM((C,), jnp.int32),
        pltpu.VMEM((RC, SEQ, EMBED), jnp.float32),
        pltpu.VMEM((RC, SEQ, EMBED), jnp.float32),
        pltpu.SemaphoreType.DMA,
        pltpu.SemaphoreType.DMA,
    ],
)(_sc_body)

_LIN_1D = Layout(major_to_minor=(0,))


@jax.jit
def kernel(sequence, segment_label, token_table, seg_table, pos_embed):
    combo, cidx = _prep(seg_table, pos_embed, segment_label.astype(jnp.int32))
    seq1 = with_layout_constraint(
        jnp.reshape(sequence.astype(jnp.int32), (TOK,)), _LIN_1D)
    cidx1 = with_layout_constraint(jnp.reshape(cidx, (TOK,)), _LIN_1D)
    return _sc_embed(seq1, cidx1, token_table, combo)

# --- scband reference (transcript-rebuilt; emitter-appended) ---
"""Pipeline reference for scband-bertembedding-33792802685584 (READ-ONLY COPY).

The authoritative reference and input builder live on the scoring server;
editing this copy changes nothing except your own understanding.
"""

import jax, jax.numpy as jnp
import numpy as np

VOCAB = 1000000
EMBED = 64
SEQ_LEN = 200
BATCH = 1024

def _sinusoidal_pos_embed(seq_len, d_model):
    pos = np.arange(seq_len, dtype=np.float32)[:, None]
    i = np.arange(d_model // 2, dtype=np.float32)[None, :]
    div = np.exp(-(2.0 * i / d_model) * np.log(10000.0))
    pe = np.zeros((seq_len, d_model), dtype=np.float32)
    pe[:, 0::2] = np.sin(pos * div)
    pe[:, 1::2] = np.cos(pos * div)
    return jnp.asarray(pe)

def setup_inputs(seed: int = 0) -> dict:
    key = jax.random.key(seed)
    k1, k2, k3, k4 = jax.random.split(key, 4)
    sequence = jax.random.randint(k1, (BATCH, SEQ_LEN), 0, VOCAB, dtype=jnp.int64 if jax.config.jax_enable_x64 else jnp.int32)
    segment_label = jax.random.randint(k2, (BATCH, SEQ_LEN), 0, 5, dtype=jnp.int64 if jax.config.jax_enable_x64 else jnp.int32)
    token_table = jax.random.normal(k3, (VOCAB, EMBED), dtype=jnp.float32)
    token_table = token_table.at[0].set(0.0)  # padding_idx=0
    seg_table = jax.random.normal(k4, (5, EMBED), dtype=jnp.float32)
    seg_table = seg_table.at[0].set(0.0)  # padding_idx=0
    pos_embed = _sinusoidal_pos_embed(SEQ_LEN, EMBED)
    return {"sequence": sequence, "segment_label": segment_label,
            "token_table": token_table, "seg_table": seg_table, "pos_embed": pos_embed}

def reference(sequence, segment_label, token_table, seg_table, pos_embed):
    # TokenEmbedding lookup (SparseCore gather)
    tok = jnp.take(token_table, sequence, axis=0)        # [B, L, D]
    # SegmentEmbedding lookup
    seg = jnp.take(seg_table, segment_label, axis=0)     # [B, L, D]
    # PositionalEmbedding (fixed sinusoidal, broadcast over batch)
    out = tok + pos_embed[None, :, :] + seg
    # nn.Dropout is identity in eval mode
    return out

if __name__ == "__main__":
    import jax
    _d = setup_inputs()
    print(jax.jit(kernel)(*tuple(_d.values())))

</pallas_src>

<mosaic_0001>
#map = affine_map<(d0, d1) -> (0)>
#map1 = affine_map<(d0, d1) -> (0, 0)>
#map2 = affine_map<(d0, d1) -> (0, 0, 0)>
module attributes {stable_mosaic.version = 14 : i64} {
  func.func @_sc_body(%arg0: i32, %arg1: i32, %arg2: memref<204800xi32, #tpu.memory_space<hbm>>, %arg3: memref<204800xi32, #tpu.memory_space<hbm>>, %arg4: memref<1000000x64xf32, #tpu.memory_space<hbm>>, %arg5: memref<1000x64xf32, #tpu.memory_space<hbm>>, %arg6: memref<1024x200x64xf32, #tpu.memory_space<hbm>>, %arg7: memref<800xi32, #tpu.memory_space<vmem>>, %arg8: memref<800xi32, #tpu.memory_space<vmem>>, %arg9: memref<4x200x64xf32, #tpu.memory_space<vmem>>, %arg10: memref<4x200x64xf32, #tpu.memory_space<vmem>>, %arg11: memref<!tpu.dma_semaphore, #tpu.memory_space<semaphore_mem>>, %arg12: memref<!tpu.dma_semaphore, #tpu.memory_space<semaphore_mem>>) attributes {dimension_semantics = [#tpu.dimension_semantics<core_parallel>, #tpu.dimension_semantics<subcore_parallel>], iteration_bounds = array<i64: 2, 16>, scalar_prefetch = 0 : i64, scratch_operands = 6 : i64, tpu.core_type = #tpu.core_type<sc_vector_subcore>, window_params = [{transform_indices = #map}, {transform_indices = #map}, {transform_indices = #map1}, {transform_indices = #map1}, {transform_indices = #map2}]} {
    %mul3A = arith.constant 2 : i32
    %mul3A_0 = arith.muli %arg1, %mul3A : i32
    %add3A = arith.addi %mul3A_0, %arg0 : i32
    %scan3A = arith.constant 0 : i32
    %scan3A_1 = arith.constant 0 : i32
    %scan3A_2 = arith.constant 8 : i32
    %scan3A_3 = arith.addi %scan3A_1, %scan3A_2 : i32
    %scan3A_4 = arith.constant 1 : i32
    scf.for %scan3A_6 = %scan3A_1 to %scan3A_3 step %scan3A_4  : i32 {
      %mul3A_7 = arith.constant 32 : i32
      %mul3A_8 = arith.muli %add3A, %mul3A_7 : i32
      %mul3A_9 = arith.constant 4 : i32
      %mul3A_10 = arith.muli %scan3A_6, %mul3A_9 : i32
      %add3A_11 = arith.addi %mul3A_8, %mul3A_10 : i32
      %mul3A_12 = arith.constant 200 : i32
      %mul3A_13 = arith.muli %add3A_11, %mul3A_12 : i32
      "tpu.region"() ({
        %run_scoped3A = tpu.sem_alloc : memref<!tpu.dma_semaphore, #tpu.memory_space<semaphore_mem>>
        %dma_start3A_498 = tpu.memref_slice %arg2[%mul3A_13] : memref<204800xi32, #tpu.memory_space<hbm>> -> memref<800xi32, #tpu.memory_space<hbm>>
        %dma_start3A_499 = tpu.memref_slice %arg2[%mul3A_13] : memref<204800xi32, #tpu.memory_space<hbm>> -> memref<800xi32, #tpu.memory_space<hbm>>
        tpu.enqueue_dma source(%dma_start3A_499 : memref<800xi32, #tpu.memory_space<hbm>>) target(%arg7 : memref<800xi32, #tpu.memory_space<vmem>>) target_semaphore(%run_scoped3A : memref<!tpu.dma_semaphore, #tpu.memory_space<semaphore_mem>>)
        %dma_wait3A_500 = tpu.memref_slice %arg2[%mul3A_13] : memref<204800xi32, #tpu.memory_space<hbm>> -> memref<800xi32, #tpu.memory_space<hbm>>
        %dma_wait3A_501 = tpu.memref_slice %arg2[%mul3A_13] : memref<204800xi32, #tpu.memory_space<hbm>> -> memref<800xi32, #tpu.memory_space<hbm>>
        tpu.wait_dma2 semaphore(%run_scoped3A : memref<!tpu.dma_semaphore, #tpu.memory_space<semaphore_mem>>) src(%dma_wait3A_501 : memref<800xi32, #tpu.memory_space<hbm>>) dst(%arg7 : memref<800xi32, #tpu.memory_space<vmem>>)
        tpu.yield
      }) : () -> ()
      "tpu.region"() ({
        %run_scoped3A = tpu.sem_alloc : memref<!tpu.dma_semaphore, #tpu.memory_space<semaphore_mem>>
        %dma_start3A_498 = tpu.memref_slice %arg3[%mul3A_13] : memref<204800xi32, #tpu.memory_space<hbm>> -> memref<800xi32, #tpu.memory_space<hbm>>
        %dma_start3A_499 = tpu.memref_slice %arg3[%mul3A_13] : memref<204800xi32, #tpu.memory_space<hbm>> -> memref<800xi32, #tpu.memory_space<hbm>>
        tpu.enqueue_dma source(%dma_start3A_499 : memref<800xi32, #tpu.memory_space<hbm>>) target(%arg8 : memref<800xi32, #tpu.memory_space<vmem>>) target_semaphore(%run_scoped3A : memref<!tpu.dma_semaphore, #tpu.memory_space<semaphore_mem>>)
        %dma_wait3A_500 = tpu.memref_slice %arg3[%mul3A_13] : memref<204800xi32, #tpu.memory_space<hbm>> -> memref<800xi32, #tpu.memory_space<hbm>>
        %dma_wait3A_501 = tpu.memref_slice %arg3[%mul3A_13] : memref<204800xi32, #tpu.memory_space<hbm>> -> memref<800xi32, #tpu.memory_space<hbm>>
        tpu.wait_dma2 semaphore(%run_scoped3A : memref<!tpu.dma_semaphore, #tpu.memory_space<semaphore_mem>>) src(%dma_wait3A_501 : memref<800xi32, #tpu.memory_space<hbm>>) dst(%arg8 : memref<800xi32, #tpu.memory_space<vmem>>)
        tpu.yield
      }) : () -> ()
      %dma_start3A = arith.constant 0 : i32
      %dma_start3A_14 = arith.constant 0 : i32
      %dma_start3A_15 = arith.constant 0 : i32
      %dma_start3A_16 = tpu.memref_slice %arg9[%dma_start3A, %dma_start3A_14, %dma_start3A_15] : memref<4x200x64xf32, #tpu.memory_space<vmem>> -> memref<1x80x64xf32, #tpu.memory_space<vmem>>
      %dma_start3A_17 = tpu.memref_squeeze %dma_start3A_16 : memref<1x80x64xf32, #tpu.memory_space<vmem>> -> memref<80x64xf32, #tpu.memory_space<vmem>>
      %dma_start3A_18 = arith.constant 0 : i32
      %dma_start3A_19 = tpu.memref_slice %arg7[%dma_start3A_18] : memref<800xi32, #tpu.memory_space<vmem>> -> memref<80xi32, #tpu.memory_space<vmem>>
      %dma_start3A_20 = arith.constant 0 : i32
      %dma_start3A_21 = arith.constant 0 : i32
      %dma_start3A_22 = tpu.memref_slice %arg4[%dma_start3A_20, %dma_start3A_21] : memref<1000000x64xf32, #tpu.memory_space<hbm>> -> memref<1000000x64xf32, #tpu.memory_space<hbm>>
      tpu.enqueue_indirect_dma source(%dma_start3A_22 : memref<1000000x64xf32, #tpu.memory_space<hbm>>) target(%dma_start3A_17 : memref<80x64xf32, #tpu.memory_space<vmem>>) offsets(%dma_start3A_19 : memref<80xi32, #tpu.memory_space<vmem>>) semaphore(%arg11 : memref<!tpu.dma_semaphore, #tpu.memory_space<semaphore_mem>>)
      %dma_start3A_23 = arith.constant 0 : i32
      %dma_start3A_24 = arith.constant 0 : i32
      %dma_start3A_25 = arith.constant 0 : i32
      %dma_start3A_26 = tpu.memref_slice %arg10[%dma_start3A_23, %dma_start3A_24, %dma_start3A_25] : memref<4x200x64xf32, #tpu.memory_space<vmem>> -> memref<1x80x64xf32, #tpu.memory_space<vmem>>
      %dma_start3A_27 = tpu.memref_squeeze %dma_start3A_26 : memref<1x80x64xf32, #tpu.memory_space<vmem>> -> memref<80x64xf32, #tpu.memory_space<vmem>>
      %dma_start3A_28 = arith.constant 0 : i32
      %dma_start3A_29 = tpu.memref_slice %arg8[%dma_start3A_28] : memref<800xi32, #tpu.memory_space<vmem>> -> memref<80xi32, #tpu.memory_space<vmem>>
      %dma_start3A_30 = arith.constant 0 : i32
      %dma_start3A_31 = arith.constant 0 : i32
      %dma_start3A_32 = tpu.memref_slice %arg5[%dma_start3A_30, %dma_start3A_31] : memref<1000x64xf32, #tpu.memory_space<hbm>> -> memref<1000x64xf32, #tpu.memory_space<hbm>>
      tpu.enqueue_indirect_dma source(%dma_start3A_32 : memref<1000x64xf32, #tpu.memory_space<hbm>>) target(%dma_start3A_27 : memref<80x64xf32, #tpu.memory_space<vmem>>) offsets(%dma_start3A_29 : memref<80xi32, #tpu.memory_space<vmem>>) semaphore(%arg12 : memref<!tpu.dma_semaphore, #tpu.memory_space<semaphore_mem>>)
      %dma_start3A_33 = arith.constant 0 : i32
      %dma_start3A_34 = arith.constant 80 : i32
      %dma_start3A_35 = arith.constant 0 : i32
      %dma_start3A_36 = tpu.memref_slice %arg9[%dma_start3A_33, %dma_start3A_34, %dma_start3A_35] : memref<4x200x64xf32, #tpu.memory_space<vmem>> -> memref<1x80x64xf32, #tpu.memory_space<vmem>>
      %dma_start3A_37 = tpu.memref_squeeze %dma_start3A_36 : memref<1x80x64xf32, #tpu.memory_space<vmem>> -> memref<80x64xf32, #tpu.memory_space<vmem>>
      %dma_start3A_38 = arith.constant 80 : i32
      %dma_start3A_39 = tpu.memref_slice %arg7[%dma_start3A_38] : memref<800xi32, #tpu.memory_space<vmem>> -> memref<80xi32, #tpu.memory_space<vmem>>
      %dma_start3A_40 = arith.constant 0 : i32
      %dma_start3A_41 = arith.constant 0 : i32
      %dma_start3A_42 = tpu.memref_slice %arg4[%dma_start3A_40, %dma_start3A_41] : memref<1000000x64xf32, #tpu.memory_space<hbm>> -> memref<1000000x64xf32, #tpu.memory_space<hbm>>
      tpu.enqueue_indirect_dma source(%dma_start3A_42 : memref<1000000x64xf32, #tpu.memory_space<hbm>>) target(%dma_start3A_37 : memref<80x64xf32, #tpu.memory_space<vmem>>) offsets(%dma_start3A_39 : memref<80xi32, #tpu.memory_space<vmem>>) semaphore(%arg11 : memref<!tpu.dma_semaphore, #tpu.memory_space<semaphore_mem>>)
      %dma_start3A_43 = arith.constant 0 : i32
      %dma_start3A_44 = arith.constant 80 : i32
      %dma_start3A_45 = arith.constant 0 : i32
      %dma_start3A_46 = tpu.memref_slice %arg10[%dma_start3A_43, %dma_start3A_44, %dma_start3A_45] : memref<4x200x64xf32, #tpu.memory_space<vmem>> -> memref<1x80x64xf32, #tpu.memory_space<vmem>>
      %dma_start3A_47 = tpu.memref_squeeze %dma_start3A_46 : memref<1x80x64xf32, #tpu.memory_space<vmem>> -> memref<80x64xf32, #tpu.memory_space<vmem>>
      %dma_start3A_48 = arith.constant 80 : i32
      %dma_start3A_49 = tpu.memref_slice %arg8[%dma_start3A_48] : memref<800xi32, #tpu.memory_space<vmem>> -> memref<80xi32, #tpu.memory_space<vmem>>
      %dma_start3A_50 = arith.constant 0 : i32
      %dma_start3A_51 = arith.constant 0 : i32
      %dma_start3A_52 = tpu.memref_slice %arg5[%dma_start3A_50, %dma_start3A_51] : memref<1000x64xf32, #tpu.memory_space<hbm>> -> memref<1000x64xf32, #tpu.memory_space<hbm>>
      tpu.enqueue_indirect_dma source(%dma_start3A_52 : memref<1000x64xf32, #tpu.memory_space<hbm>>) target(%dma_start3A_47 : memref<80x64xf32, #tpu.memory_space<vmem>>) offsets(%dma_start3A_49 : memref<80xi32, #tpu.memory_space<vmem>>) semaphore(%arg12 : memref<!tpu.dma_semaphore, #tpu.memory_space<semaphore_mem>>)
      %dma_start3A_53 = arith.constant 0 : i32
      %dma_start3A_54 = arith.constant 160 : i32
      %dma_start3A_55 = arith.constant 0 : i32
      %dma_start3A_56 = tpu.memref_slice %arg9[%dma_start3A_53, %dma_start3A_54, %dma_start3A_55] : memref<4x200x64xf32, #tpu.memory_space<vmem>> -> memref<1x40x64xf32, #tpu.memory_space<vmem>>
      %dma_start3A_57 = tpu.memref_squeeze %dma_start3A_56 : memref<1x40x64xf32, #tpu.memory_space<vmem>> -> memref<40x64xf32, #tpu.memory_space<vmem>>
      %dma_start3A_58 = arith.constant 160 : i32
      %dma_start3A_59 = tpu.memref_slice %arg7[%dma_start3A_58] : memref<800xi32, #tpu.memory_space<vmem>> -> memref<40xi32, #tpu.memory_space<vmem>>
      %dma_start3A_60 = arith.constant 0 : i32
      %dma_start3A_61 = arith.constant 0 : i32
      %dma_start3A_62 = tpu.memref_slice %arg4[%dma_start3A_60, %dma_start3A_61] : memref<1000000x64xf32, #tpu.memory_space<hbm>> -> memref<1000000x64xf32, #tpu.memory_space<hbm>>
      tpu.enqueue_indirect_dma source(%dma_start3A_62 : memref<1000000x64xf32, #tpu.memory_space<hbm>>) target(%dma_start3A_57 : memref<40x64xf32, #tpu.memory_space<vmem>>) offsets(%dma_start3A_59 : memref<40xi32, #tpu.memory_space<vmem>>) semaphore(%arg11 : memref<!tpu.dma_semaphore, #tpu.memory_space<semaphore_mem>>)
      %dma_start3A_63 = arith.constant 0 : i32
      %dma_start3A_64 = arith.constant 160 : i32
      %dma_start3A_65 = arith.constant 0 : i32
      %dma_start3A_66 = tpu.memref_slice %arg10[%dma_start3A_63, %dma_start3A_64, %dma_start3A_65] : memref<4x200x64xf32, #tpu.memory_space<vmem>> -> memref<1x40x64xf32, #tpu.memory_space<vmem>>
      %dma_start3A_67 = tpu.memref_squeeze %dma_start3A_66 : memref<1x40x64xf32, #tpu.memory_space<vmem>> -> memref<40x64xf32, #tpu.memory_space<vmem>>
      %dma_start3A_68 = arith.constant 160 : i32
      %dma_start3A_69 = tpu.memref_slice %arg8[%dma_start3A_68] : memref<800xi32, #tpu.memory_space<vmem>> -> memref<40xi32, #tpu.memory_space<vmem>>
      %dma_start3A_70 = arith.constant 0 : i32
      %dma_start3A_71 = arith.constant 0 : i32
      %dma_start3A_72 = tpu.memref_slice %arg5[%dma_start3A_70, %dma_start3A_71] : memref<1000x64xf32, #tpu.memory_space<hbm>> -> memref<1000x64xf32, #tpu.memory_space<hbm>>
      tpu.enqueue_indirect_dma source(%dma_start3A_72 : memref<1000x64xf32, #tpu.memory_space<hbm>>) target(%dma_start3A_67 : memref<40x64xf32, #tpu.memory_space<vmem>>) offsets(%dma_start3A_69 : memref<40xi32, #tpu.memory_space<vmem>>) semaphore(%arg12 : memref<!tpu.dma_semaphore, #tpu.memory_space<semaphore_mem>>)
      %dma_start3A_73 = arith.constant 1 : i32
      %dma_start3A_74 = arith.constant 0 : i32
      %dma_start3A_75 = arith.constant 0 : i32
      %dma_start3A_76 = tpu.memref_slice %arg9[%dma_start3A_73, %dma_start3A_74, %dma_start3A_75] : memref<4x200x64xf32, #tpu.memory_space<vmem>> -> memref<1x80x64xf32, #tpu.memory_space<vmem>>
      %dma_start3A_77 = tpu.memref_squeeze %dma_start3A_76 : memref<1x80x64xf32, #tpu.memory_space<vmem>> -> memref<80x64xf32, #tpu.memory_space<vmem>>
      %dma_start3A_78 = arith.constant 200 : i32
      %dma_start3A_79 = tpu.memref_slice %arg7[%dma_start3A_78] : memref<800xi32, #tpu.memory_space<vmem>> -> memref<80xi32, #tpu.memory_space<vmem>>
      %dma_start3A_80 = arith.constant 0 : i32
      %dma_start3A_81 = arith.constant 0 : i32
      %dma_start3A_82 = tpu.memref_slice %arg4[%dma_start3A_80, %dma_start3A_81] : memref<1000000x64xf32, #tpu.memory_space<hbm>> -> memref<1000000x64xf32, #tpu.memory_space<hbm>>
      tpu.enqueue_indirect_dma source(%dma_start3A_82 : memref<1000000x64xf32, #tpu.memory_space<hbm>>) target(%dma_start3A_77 : memref<80x64xf32, #tpu.memory_space<vmem>>) offsets(%dma_start3A_79 : memref<80xi32, #tpu.memory_space<vmem>>) semaphore(%arg11 : memref<!tpu.dma_semaphore, #tpu.memory_space<semaphore_mem>>)
      %dma_start3A_83 = arith.constant 1 : i32
      %dma_start3A_84 = arith.constant 0 : i32
      %dma_start3A_85 = arith.constant 0 : i32
      %dma_start3A_86 = tpu.memref_slice %arg10[%dma_start3A_83, %dma_start3A_84, %dma_start3A_85] : memref<4x200x64xf32, #tpu.memory_space<vmem>> -> memref<1x80x64xf32, #tpu.memory_space<vmem>>
      %dma_start3A_87 = tpu.memref_squeeze %dma_start3A_86 : memref<1x80x64xf32, #tpu.memory_space<vmem>> -> memref<80x64xf32, #tpu.memory_space<vmem>>
      %dma_start3A_88 = arith.constant 200 : i32
      %dma_start3A_89 = tpu.memref_slice %arg8[%dma_start3A_88] : memref<800xi32, #tpu.memory_space<vmem>> -> memref<80xi32, #tpu.memory_space<vmem>>
      %dma_start3A_90 = arith.constant 0 : i32
      %dma_start3A_91 = arith.constant 0 : i32
      %dma_start3A_92 = tpu.memref_slice %arg5[%dma_start3A_90, %dma_start3A_91] : memref<1000x64xf32, #tpu.memory_space<hbm>> -> memref<1000x64xf32, #tpu.memory_space<hbm>>
      tpu.enqueue_indirect_dma source(%dma_start3A_92 : memref<1000x64xf32, #tpu.memory_space<hbm>>) target(%dma_start3A_87 : memref<80x64xf32, #tpu.memory_space<vmem>>) offsets(%dma_start3A_89 : memref<80xi32, #tpu.memory_space<vmem>>) semaphore(%arg12 : memref<!tpu.dma_semaphore, #tpu.memory_space<semaphore_mem>>)
      %dma_start3A_93 = arith.constant 1 : i32
      %dma_start3A_94 = arith.constant 80 : i32
      %dma_start3A_95 = arith.constant 0 : i32
      %dma_start3A_96 = tpu.memref_slice %arg9[%dma_start3A_93, %dma_start3A_94, %dma_start3A_95] : memref<4x200x64xf32, #tpu.memory_space<vmem>> -> memref<1x80x64xf32, #tpu.memory_space<vmem>>
      %dma_start3A_97 = tpu.memref_squeeze %dma_start3A_96 : memref<1x80x64xf32, #tpu.memory_space<vmem>> -> memref<80x64xf32, #tpu.memory_space<vmem>>
      %dma_start3A_98 = arith.constant 280 : i32
      %dma_start3A_99 = tpu.memref_slice %arg7[%dma_start3A_98] : memref<800xi32, #tpu.memory_space<vmem>> -> memref<80xi32, #tpu.memory_space<vmem>>
      %dma_start3A_100 = arith.constant 0 : i32
      %dma_start3A_101 = arith.constant 0 : i32
      %dma_start3A_102 = tpu.memref_slice %arg4[%dma_start3A_100, %dma_start3A_101] : memref<1000000x64xf32, #tpu.memory_space<hbm>> -> memref<1000000x64xf32, #tpu.memory_space<hbm>>
      tpu.enqueue_indirect_dma source(%dma_start3A_102 : memref<1000000x64xf32, #tpu.memory_space<hbm>>) target(%dma_start3A_97 : memref<80x64xf32, #tpu.memory_space<vmem>>) offsets(%dma_start3A_99 : memref<80xi32, #tpu.memory_space<vmem>>) semaphore(%arg11 : memref<!tpu.dma_semaphore, #tpu.memory_space<semaphore_mem>>)
      %dma_start3A_103 = arith.constant 1 : i32
      %dma_start3A_104 = arith.constant 80 : i32
      %dma_start3A_105 = arith.constant 0 : i32
      %dma_start3A_106 = tpu.memref_slice %arg10[%dma_start3A_103, %dma_start3A_104, %dma_start3A_105] : memref<4x200x64xf32, #tpu.memory_space<vmem>> -> memref<1x80x64xf32, #tpu.memory_space<vmem>>
      %dma_start3A_107 = tpu.memref_squeeze %dma_start3A_106 : memref<1x80x64xf32, #tpu.memory_space<vmem>> -> memref<80x64xf32, #tpu.memory_space<vmem>>
      %dma_start3A_108 = arith.constant 280 : i32
      %dma_start3A_109 = tpu.memref_slice %arg8[%dma_start3A_108] : memref<800xi32, #tpu.memory_space<vmem>> -> memref<80xi32, #tpu.memory_space<vmem>>
      %dma_start3A_110 = arith.constant 0 : i32
      %dma_start3A_111 = arith.constant 0 : i32
      %dma_start3A_112 = tpu.memref_slice %arg5[%dma_start3A_110, %dma_start3A_111] : memref<1000x64xf32, #tpu.memory_space<hbm>> -> memref<1000x64xf32, #tpu.memory_space<hbm>>
      tpu.enqueue_indirect_dma source(%dma_start3A_112 : memref<1000x64xf32, #tpu.memory_space<hbm>>) target(%dma_start3A_107 : memref<80x64xf32, #tpu.memory_space<vmem>>) offsets(%dma_start3A_109 : memref<80xi32, #tpu.memory_space<vmem>>) semaphore(%arg12 : memref<!tpu.dma_semaphore, #tpu.memory_space<semaphore_mem>>)
      %dma_start3A_113 = arith.constant 1 : i32
      %dma_start3A_114 = arith.constant 160 : i32
      %dma_start3A_115 = arith.constant 0 : i32
      %dma_start3A_116 = tpu.memref_slice %arg9[%dma_start3A_113, %dma_start3A_114, %dma_start3A_115] : memref<4x200x64xf32, #tpu.memory_space<vmem>> -> memref<1x40x64xf32, #tpu.memory_space<vmem>>
      %dma_start3A_117 = tpu.memref_squeeze %dma_start3A_116 : memref<1x40x64xf32, #tpu.memory_space<vmem>> -> memref<40x64xf32, #tpu.memory_space<vmem>>
      %dma_start3A_118 = arith.constant 360 : i32
      %dma_start3A_119 = tpu.memref_slice %arg7[%dma_start3A_118] : memref<800xi32, #tpu.memory_space<vmem>> -> memref<40xi32, #tpu.memory_space<vmem>>
      %dma_start3A_120 = arith.constant 0 : i32
      %dma_start3A_121 = arith.constant 0 : i32
      %dma_start3A_122 = tpu.memref_slice %arg4[%dma_start3A_120, %dma_start3A_121] : memref<1000000x64xf32, #tpu.memory_space<hbm>> -> memref<1000000x64xf32, #tpu.memory_space<hbm>>
      tpu.enqueue_indirect_dma source(%dma_start3A_122 : memref<1000000x64xf32, #tpu.memory_space<hbm>>) target(%dma_start3A_117 : memref<40x64xf32, #tpu.memory_space<vmem>>) offsets(%dma_start3A_119 : memref<40xi32, #tpu.memory_space<vmem>>) semaphore(%arg11 : memref<!tpu.dma_semaphore, #tpu.memory_space<semaphore_mem>>)
      %dma_start3A_123 = arith.constant 1 : i32
      %dma_start3A_124 = arith.constant 160 : i32
      %dma_start3A_125 = arith.constant 0 : i32
      %dma_start3A_126 = tpu.memref_slice %arg10[%dma_start3A_123, %dma_start3A_124, %dma_start3A_125] : memref<4x200x64xf32, #tpu.memory_space<vmem>> -> memref<1x40x64xf32, #tpu.memory_space<vmem>>
      %dma_start3A_127 = tpu.memref_squeeze %dma_start3A_126 : memref<1x40x64xf32, #tpu.memory_space<vmem>> -> memref<40x64xf32, #tpu.memory_space<vmem>>
      %dma_start3A_128 = arith.constant 360 : i32
      %dma_start3A_129 = tpu.memref_slice %arg8[%dma_start3A_128] : memref<800xi32, #tpu.memory_space<vmem>> -> memref<40xi32, #tpu.memory_space<vmem>>
      %dma_start3A_130 = arith.constant 0 : i32
      %dma_start3A_131 = arith.constant 0 : i32
      %dma_start3A_132 = tpu.memref_slice %arg5[%dma_start3A_130, %dma_start3A_131] : memref<1000x64xf32, #tpu.memory_space<hbm>> -> memref<1000x64xf32, #tpu.memory_space<hbm>>
      tpu.enqueue_indirect_dma source(%dma_start3A_132 : memref<1000x64xf32, #tpu.memory_space<hbm>>) target(%dma_start3A_127 : memref<40x64xf32, #tpu.memory_space<vmem>>) offsets(%dma_start3A_129 : memref<40xi32, #tpu.memory_space<vmem>>) semaphore(%arg12 : memref<!tpu.dma_semaphore, #tpu.memory_space<semaphore_mem>>)
      %dma_start3A_133 = arith.constant 2 : i32
      %dma_start3A_134 = arith.constant 0 : i32
      %dma_start3A_135 = arith.constant 0 : i32
      %dma_start3A_136 = tpu.memref_slice %arg9[%dma_start3A_133, %dma_start3A_134, %dma_start3A_135] : memref<4x200x64xf32, #tpu.memory_space<vmem>> -> memref<1x80x64xf32, #tpu.memory_space<vmem>>
      %dma_start3A_137 = tpu.memref_squeeze %dma_start3A_136 : memref<1x80x64xf32, #tpu.memory_space<vmem>> -> memref<80x64xf32, #tpu.memory_space<vmem>>
      %dma_start3A_138 = arith.constant 400 : i32
      %dma_start3A_139 = tpu.memref_slice %arg7[%dma_start3A_138] : memref<800xi32, #tpu.memory_space<vmem>> -> memref<80xi32, #tpu.memory_space<vmem>>
      %dma_start3A_140 = arith.constant 0 : i32
      %dma_start3A_141 = arith.constant 0 : i32
      %dma_start3A_142 = tpu.memref_slice %arg4[%dma_start3A_140, %dma_start3A_141] : memref<1000000x64xf32, #tpu.memory_space<hbm>> -> memref<1000000x64xf32, #tpu.memory_space<hbm>>
      tpu.enqueue_indirect_dma source(%dma_start3A_142 : memref<1000000x64xf32, #tpu.memory_space<hbm>>) target(%dma_start3A_137 : memref<80x64xf32, #tpu.memory_space<vmem>>) offsets(%dma_start3A_139 : memref<80xi32, #tpu.memory_space<vmem>>) semaphore(%arg11 : memref<!tpu.dma_semaphore, #tpu.memory_space<semaphore_mem>>)
      %dma_start3A_143 = arith.constant 2 : i32
      %dma_start3A_144 = arith.constant 0 : i32
      %dma_start3A_145 = arith.constant 0 : i32
      %dma_start3A_146 = tpu.memref_slice %arg10[%dma_start3A_143, %dma_start3A_144, %dma_start3A_145] : memref<4x200x64xf32, #tpu.memory_space<vmem>> -> memref<1x80x64xf32, #tpu.memory_space<vmem>>
      %dma_start3A_147 = tpu.memref_squeeze %dma_start3A_146 : memref<1x80x64xf32, #tpu.memory_space<vmem>> -> memref<80x64xf32, #tpu.memory_space<vmem>>
      %dma_start3A_148 = arith.constant 400 : i32
      %dma_start3A_149 = tpu.memref_slice %arg8[%dma_start3A_148] : memref<800xi32, #tpu.memory_space<vmem>> -> memref<80xi32, #tpu.memory_space<vmem>>
      %dma_start3A_150 = arith.constant 0 : i32
      %dma_start3A_151 = arith.constant 0 : i32
      %dma_start3A_152 = tpu.memref_slice %arg5[%dma_start3A_150, %dma_start3A_151] : memref<1000x64xf32, #tpu.memory_space<hbm>> -> memref<1000x64xf32, #tpu.memory_space<hbm>>
      tpu.enqueue_indirect_dma source(%dma_start3A_152 : memref<1000x64xf32, #tpu.memory_space<hbm>>) target(%dma_start3A_147 : memref<80x64xf32, #tpu.memory_space<vmem>>) offsets(%dma_start3A_149 : memref<80xi32, #tpu.memory_space<vmem>>) semaphore(%arg12 : memref<!tpu.dma_semaphore, #tpu.memory_space<semaphore_mem>>)
      %dma_start3A_153 = arith.constant 2 : i32
      %dma_start3A_154 = arith.constant 80 : i32
      %dma_start3A_155 = arith.constant 0 : i32
      %dma_start3A_156 = tpu.memref_slice %arg9[%dma_start3A_153, %dma_start3A_154, %dma_start3A_155] : memref<4x200x64xf32, #tpu.memory_space<vmem>> -> memref<1x80x64xf32, #tpu.memory_space<vmem>>
      %dma_start3A_157 = tpu.memref_squeeze %dma_start3A_156 : memref<1x80x64xf32, #tpu.memory_space<vmem>> -> memref<80x64xf32, #tpu.memory_space<vmem>>
      %dma_start3A_158 = arith.constant 480 : i32
      %dma_start3A_159 = tpu.memref_slice %arg7[%dma_start3A_158] : memref<800xi32, #tpu.memory_space<vmem>> -> memref<80xi32, #tpu.memory_space<vmem>>
      %dma_start3A_160 = arith.constant 0 : i32
      %dma_start3A_161 = arith.constant 0 : i32
      %dma_start3A_162 = tpu.memref_slice %arg4[%dma_start3A_160, %dma_start3A_161] : memref<1000000x64xf32, #tpu.memory_space<hbm>> -> memref<1000000x64xf32, #tpu.memory_space<hbm>>
      tpu.enqueue_indirect_dma source(%dma_start3A_162 : memref<1000000x64xf32, #tpu.memory_space<hbm>>) target(%dma_start3A_157 : memref<80x64xf32, #tpu.memory_space<vmem>>) offsets(%dma_start3A_159 : memref<80xi32, #tpu.memory_space<vmem>>) semaphore(%arg11 : memref<!tpu.dma_semaphore, #tpu.memory_space<semaphore_mem>>)
      %dma_start3A_163 = arith.constant 2 : i32
      %dma_start3A_164 = arith.constant 80 : i32
      %dma_start3A_165 = arith.constant 0 : i32
      %dma_start3A_166 = tpu.memref_slice %arg10[%dma_start3A_163, %dma_start3A_164, %dma_start3A_165] : memref<4x200x64xf32, #tpu.memory_space<vmem>> -> memref<1x80x64xf32, #tpu.memory_space<vmem>>
      %dma_start3A_167 = tpu.memref_squeeze %dma_start3A_166 : memref<1x80x64xf32, #tpu.memory_space<vmem>> -> memref<80x64xf32, #tpu.memory_space<vmem>>
      %dma_start3A_168 = arith.constant 480 : i32
      %dma_start3A_169 = tpu.memref_slice %arg8[%dma_start3A_168] : memref<800xi32, #tpu.memory_space<vmem>> -> memref<80xi32, #tpu.memory_space<vmem>>
      %dma_start3A_170 = arith.constant 0 : i32
      %dma_start3A_171 = arith.constant 0 : i32
      %dma_start3A_172 = tpu.memref_slice %arg5[%dma_start3A_170, %dma_start3A_171] : memref<1000x64xf32, #tpu.memory_space<hbm>> -> memref<1000x64xf32, #tpu.memory_space<hbm>>
      tpu.enqueue_indirect_dma source(%dma_start3A_172 : memref<1000x64xf32, #tpu.memory_space<hbm>>) target(%dma_start3A_167 : memref<80x64xf32, #tpu.memory_space<vmem>>) offsets(%dma_start3A_169 : memref<80xi32, #tpu.memory_space<vmem>>) semaphore(%arg12 : memref<!tpu.dma_semaphore, #tpu.memory_space<semaphore_mem>>)
      %dma_start3A_173 = arith.constant 2 : i32
      %dma_start3A_174 = arith.constant 160 : i32
      %dma_start3A_175 = arith.constant 0 : i32
      %dma_start3A_176 = tpu.memref_slice %arg9[%dma_start3A_173, %dma_start3A_174, %dma_start3A_175] : memref<4x200x64xf32, #tpu.memory_space<vmem>> -> memref<1x40x64xf32, #tpu.memory_space<vmem>>
      %dma_start3A_177 = tpu.memref_squeeze %dma_start3A_176 : memref<1x40x64xf32, #tpu.memory_space<vmem>> -> memref<40x64xf32, #tpu.memory_space<vmem>>
      %dma_start3A_178 = arith.constant 560 : i32
      %dma_start3A_179 = tpu.memref_slice %arg7[%dma_start3A_178] : memref<800xi32, #tpu.memory_space<vmem>> -> memref<40xi32, #tpu.memory_space<vmem>>
      %dma_start3A_180 = arith.constant 0 : i32
      %dma_start3A_181 = arith.constant 0 : i32
      %dma_start3A_182 = tpu.memref_slice %arg4[%dma_start3A_180, %dma_start3A_181] : memref<1000000x64xf32, #tpu.memory_space<hbm>> -> memref<1000000x64xf32, #tpu.memory_space<hbm>>
      tpu.enqueue_indirect_dma source(%dma_start3A_182 : memref<1000000x64xf32, #tpu.memory_space<hbm>>) target(%dma_start3A_177 : memref<40x64xf32, #tpu.memory_space<vmem>>) offsets(%dma_start3A_179 : memref<40xi32, #tpu.memory_space<vmem>>) semaphore(%arg11 : memref<!tpu.dma_semaphore, #tpu.memory_space<semaphore_mem>>)
      %dma_start3A_183 = arith.constant 2 : i32
      %dma_start3A_184 = arith.constant 160 : i32
      %dma_start3A_185 = arith.constant 0 : i32
      %dma_start3A_186 = tpu.memref_slice %arg10[%dma_start3A_183, %dma_start3A_184, %dma_start3A_185] : memref<4x200x64xf32, #tpu.memory_space<vmem>> -> memref<1x40x64xf32, #tpu.memory_space<vmem>>
      %dma_start3A_187 = tpu.memref_squeeze %dma_start3A_186 : memref<1x40x64xf32, #tpu.memory_space<vmem>> -> memref<40x64xf32, #tpu.memory_space<vmem>>
      %dma_start3A_188 = arith.constant 560 : i32
      %dma_start3A_189 = tpu.memref_slice %arg8[%dma_start3A_188] : memref<800xi32, #tpu.memory_space<vmem>> -> memref<40xi32, #tpu.memory_space<vmem>>
      %dma_start3A_190 = arith.constant 0 : i32
      %dma_start3A_191 = arith.constant 0 : i32
      %dma_start3A_192 = tpu.memref_slice %arg5[%dma_start3A_190, %dma_start3A_191] : memref<1000x64xf32, #tpu.memory_space<hbm>> -> memref<1000x64xf32, #tpu.memory_space<hbm>>
      tpu.enqueue_indirect_dma source(%dma_start3A_192 : memref<1000x64xf32, #tpu.memory_space<hbm>>) target(%dma_start3A_187 : memref<40x64xf32, #tpu.memory_space<vmem>>) offsets(%dma_start3A_189 : memref<40xi32, #tpu.memory_space<vmem>>) semaphore(%arg12 : memref<!tpu.dma_semaphore, #tpu.memory_space<semaphore_mem>>)
      %dma_start3A_193 = arith.constant 3 : i32
      %dma_start3A_194 = arith.constant 0 : i32
      %dma_start3A_195 = arith.constant 0 : i32
      %dma_start3A_196 = tpu.memref_slice %arg9[%dma_start3A_193, %dma_start3A_194, %dma_start3A_195] : memref<4x200x64xf32, #tpu.memory_space<vmem>> -> memref<1x80x64xf32, #tpu.memory_space<vmem>>
      %dma_start3A_197 = tpu.memref_squeeze %dma_start3A_196 : memref<1x80x64xf32, #tpu.memory_space<vmem>> -> memref<80x64xf32, #tpu.memory_space<vmem>>
      %dma_start3A_198 = arith.constant 600 : i32
      %dma_start3A_199 = tpu.memref_slice %arg7[%dma_start3A_198] : memref<800xi32, #tpu.memory_space<vmem>> -> memref<80xi32, #tpu.memory_space<vmem>>
      %dma_start3A_200 = arith.constant 0 : i32
      %dma_start3A_201 = arith.constant 0 : i32
      %dma_start3A_202 = tpu.memref_slice %arg4[%dma_start3A_200, %dma_start3A_201] : memref<1000000x64xf32, #tpu.memory_space<hbm>> -> memref<1000000x64xf32, #tpu.memory_space<hbm>>
      tpu.enqueue_indirect_dma source(%dma_start3A_202 : memref<1000000x64xf32, #tpu.memory_space<hbm>>) target(%dma_start3A_197 : memref<80x64xf32, #tpu.memory_space<vmem>>) offsets(%dma_start3A_199 : memref<80xi32, #tpu.memory_space<vmem>>) semaphore(%arg11 : memref<!tpu.dma_semaphore, #tpu.memory_space<semaphore_mem>>)
      %dma_start3A_203 = arith.constant 3 : i32
      %dma_start3A_204 = arith.constant 0 : i32
      %dma_start3A_205 = arith.constant 0 : i32
      %dma_start3A_206 = tpu.memref_slice %arg10[%dma_start3A_203, %dma_start3A_204, %dma_start3A_205] : memref<4x200x64xf32, #tpu.memory_space<vmem>> -> memref<1x80x64xf32, #tpu.memory_space<vmem>>
      %dma_start3A_207 = tpu.memref_squeeze %dma_start3A_206 : memref<1x80x64xf32, #tpu.memory_space<vmem>> -> memref<80x64xf32, #tpu.memory_space<vmem>>
      %dma_start3A_208 = arith.constant 600 : i32
      %dma_start3A_209 = tpu.memref_slice %arg8[%dma_start3A_208] : memref<800xi32, #tpu.memory_space<vmem>> -> memref<80xi32, #tpu.memory_space<vmem>>
      %dma_start3A_210 = arith.constant 0 : i32
      %dma_start3A_211 = arith.constant 0 : i32
      %dma_start3A_212 = tpu.memref_slice %arg5[%dma_start3A_210, %dma_start3A_211] : memref<1000x64xf32, #tpu.memory_space<hbm>> -> memref<1000x64xf32, #tpu.memory_space<hbm>>
      tpu.enqueue_indirect_dma source(%dma_start3A_212 : memref<1000x64xf32, #tpu.memory_space<hbm>>) target(%dma_start3A_207 : memref<80x64xf32, #tpu.memory_space<vmem>>) offsets(%dma_start3A_209 : memref<80xi32, #tpu.memory_space<vmem>>) semaphore(%arg12 : memref<!tpu.dma_semaphore, #tpu.memory_space<semaphore_mem>>)
      %dma_start3A_213 = arith.constant 3 : i32
      %dma_start3A_214 = arith.constant 80 : i32
      %dma_start3A_215 = arith.constant 0 : i32
      %dma_start3A_216 = tpu.memref_slice %arg9[%dma_start3A_213, %dma_start3A_214, %dma_start3A_215] : memref<4x200x64xf32, #tpu.memory_space<vmem>> -> memref<1x80x64xf32, #tpu.memory_space<vmem>>
      %dma_start3A_217 = tpu.memref_squeeze %dma_start3A_216 : memref<1x80x64xf32, #tpu.memory_space<vmem>> -> memref<80x64xf32, #tpu.memory_space<vmem>>
      %dma_start3A_218 = arith.constant 680 : i32
      %dma_start3A_219 = tpu.memref_slice %arg7[%dma_start3A_218] : memref<800xi32, #tpu.memory_space<vmem>> -> memref<80xi32, #tpu.memory_space<vmem>>
      %dma_start3A_220 = arith.constant 0 : i32
      %dma_start3A_221 = arith.constant 0 : i32
      %dma_start3A_222 = tpu.memref_slice %arg4[%dma_start3A_220, %dma_start3A_221] : memref<1000000x64xf32, #tpu.memory_space<hbm>> -> memref<1000000x64xf32, #tpu.memory_space<hbm>>
      tpu.enqueue_indirect_dma source(%dma_start3A_222 : memref<1000000x64xf32, #tpu.memory_space<hbm>>) target(%dma_start3A_217 : memref<80x64xf32, #tpu.memory_space<vmem>>) offsets(%dma_start3A_219 : memref<80xi32, #tpu.memory_space<vmem>>) semaphore(%arg11 : memref<!tpu.dma_semaphore, #tpu.memory_space<semaphore_mem>>)
      %dma_start3A_223 = arith.constant 3 : i32
      %dma_start3A_224 = arith.constant 80 : i32
      %dma_start3A_225 = arith.constant 0 : i32
      %dma_start3A_226 = tpu.memref_slice %arg10[%dma_start3A_223, %dma_start3A_224, %dma_start3A_225] : memref<4x200x64xf32, #tpu.memory_space<vmem>> -> memref<1x80x64xf32, #tpu.memory_space<vmem>>
      %dma_start3A_227 = tpu.memref_squeeze %dma_start3A_226 : memref<1x80x64xf32, #tpu.memory_space<vmem>> -> memref<80x64xf32, #tpu.memory_space<vmem>>
      %dma_start3A_228 = arith.constant 680 : i32
      %dma_start3A_229 = tpu.memref_slice %arg8[%dma_start3A_228] : memref<800xi32, #tpu.memory_space<vmem>> -> memref<80xi32, #tpu.memory_space<vmem>>
      %dma_start3A_230 = arith.constant 0 : i32
      %dma_start3A_231 = arith.constant 0 : i32
      %dma_start3A_232 = tpu.memref_slice %arg5[%dma_start3A_230, %dma_start3A_231] : memref<1000x64xf32, #tpu.memory_space<hbm>> -> memref<1000x64xf32, #tpu.memory_space<hbm>>
      tpu.enqueue_indirect_dma source(%dma_start3A_232 : memref<1000x64xf32, #tpu.memory_space<hbm>>) target(%dma_start3A_227 : memref<80x64xf32, #tpu.memory_space<vmem>>) offsets(%dma_start3A_229 : memref<80xi32, #tpu.memory_space<vmem>>) semaphore(%arg12 : memref<!tpu.dma_semaphore, #tpu.memory_space<semaphore_mem>>)
      %dma_start3A_233 = arith.constant 3 : i32
      %dma_start3A_234 = arith.constant 160 : i32
      %dma_start3A_235 = arith.constant 0 : i32
      %dma_start3A_236 = tpu.memref_slice %arg9[%dma_start3A_233, %dma_start3A_234, %dma_start3A_235] : memref<4x200x64xf32, #tpu.memory_space<vmem>> -> memref<1x40x64xf32, #tpu.memory_space<vmem>>
      %dma_start3A_237 = tpu.memref_squeeze %dma_start3A_236 : memref<1x40x64xf32, #tpu.memory_space<vmem>> -> memref<40x64xf32, #tpu.memory_space<vmem>>
      %dma_start3A_238 = arith.constant 760 : i32
      %dma_start3A_239 = tpu.memref_slice %arg7[%dma_start3A_238] : memref<800xi32, #tpu.memory_space<vmem>> -> memref<40xi32, #tpu.memory_space<vmem>>
      %dma_start3A_240 = arith.constant 0 : i32
      %dma_start3A_241 = arith.constant 0 : i32
      %dma_start3A_242 = tpu.memref_slice %arg4[%dma_start3A_240, %dma_start3A_241] : memref<1000000x64xf32, #tpu.memory_space<hbm>> -> memref<1000000x64xf32, #tpu.memory_space<hbm>>
      tpu.enqueue_indirect_dma source(%dma_start3A_242 : memref<1000000x64xf32, #tpu.memory_space<hbm>>) target(%dma_start3A_237 : memref<40x64xf32, #tpu.memory_space<vmem>>) offsets(%dma_start3A_239 : memref<40xi32, #tpu.memory_space<vmem>>) semaphore(%arg11 : memref<!tpu.dma_semaphore, #tpu.memory_space<semaphore_mem>>)
      %dma_start3A_243 = arith.constant 3 : i32
      %dma_start3A_244 = arith.constant 160 : i32
      %dma_start3A_245 = arith.constant 0 : i32
      %dma_start3A_246 = tpu.memref_slice %arg10[%dma_start3A_243, %dma_start3A_244, %dma_start3A_245] : memref<4x200x64xf32, #tpu.memory_space<vmem>> -> memref<1x40x64xf32, #tpu.memory_space<vmem>>
      %dma_start3A_247 = tpu.memref_squeeze %dma_start3A_246 : memref<1x40x64xf32, #tpu.memory_space<vmem>> -> memref<40x64xf32, #tpu.memory_space<vmem>>
      %dma_start3A_248 = arith.constant 760 : i32
      %dma_start3A_249 = tpu.memref_slice %arg8[%dma_start3A_248] : memref<800xi32, #tpu.memory_space<vmem>> -> memref<40xi32, #tpu.memory_space<vmem>>
      %dma_start3A_250 = arith.constant 0 : i32
      %dma_start3A_251 = arith.constant 0 : i32
      %dma_start3A_252 = tpu.memref_slice %arg5[%dma_start3A_250, %dma_start3A_251] : memref<1000x64xf32, #tpu.memory_space<hbm>> -> memref<1000x64xf32, #tpu.memory_space<hbm>>
      tpu.enqueue_indirect_dma source(%dma_start3A_252 : memref<1000x64xf32, #tpu.memory_space<hbm>>) target(%dma_start3A_247 : memref<40x64xf32, #tpu.memory_space<vmem>>) offsets(%dma_start3A_249 : memref<40xi32, #tpu.memory_space<vmem>>) semaphore(%arg12 : memref<!tpu.dma_semaphore, #tpu.memory_space<semaphore_mem>>)
      %dma_wait3A = arith.constant 0 : i32
      %dma_wait3A_253 = arith.constant 0 : i32
      %dma_wait3A_254 = arith.constant 0 : i32
      %dma_wait3A_255 = tpu.memref_slice %arg9[%dma_wait3A, %dma_wait3A_253, %dma_wait3A_254] : memref<4x200x64xf32, #tpu.memory_space<vmem>> -> memref<1x80x64xf32, #tpu.memory_space<vmem>>
      %dma_wait3A_256 = tpu.memref_squeeze %dma_wait3A_255 : memref<1x80x64xf32, #tpu.memory_space<vmem>> -> memref<80x64xf32, #tpu.memory_space<vmem>>
      %dma_wait3A_257 = arith.constant 0 : i32
      %dma_wait3A_258 = tpu.memref_slice %arg7[%dma_wait3A_257] : memref<800xi32, #tpu.memory_space<vmem>> -> memref<80xi32, #tpu.memory_space<vmem>>
      %dma_wait3A_259 = arith.constant 0 : i32
      %dma_wait3A_260 = arith.constant 0 : i32
      %dma_wait3A_261 = tpu.memref_slice %arg4[%dma_wait3A_259, %dma_wait3A_260] : memref<1000000x64xf32, #tpu.memory_space<hbm>> -> memref<1000000x64xf32, #tpu.memory_space<hbm>>
      tpu.wait_indirect_dma semaphore(%arg11 : memref<!tpu.dma_semaphore, #tpu.memory_space<semaphore_mem>>) src(%dma_wait3A_261 : memref<1000000x64xf32, #tpu.memory_space<hbm>>) dst(%dma_wait3A_256 : memref<80x64xf32, #tpu.memory_space<vmem>>)
      %dma_wait3A_262 = arith.constant 0 : i32
      %dma_wait3A_263 = arith.constant 0 : i32
      %dma_wait3A_264 = arith.constant 0 : i32
      %dma_wait3A_265 = tpu.memref_slice %arg10[%dma_wait3A_262, %dma_wait3A_263, %dma_wait3A_264] : memref<4x200x64xf32, #tpu.memory_space<vmem>> -> memref<1x80x64xf32, #tpu.memory_space<vmem>>
      %dma_wait3A_266 = tpu.memref_squeeze %dma_wait3A_265 : memref<1x80x64xf32, #tpu.memory_space<vmem>> -> memref<80x64xf32, #tpu.memory_space<vmem>>
      %dma_wait3A_267 = arith.constant 0 : i32
      %dma_wait3A_268 = tpu.memref_slice %arg8[%dma_wait3A_267] : memref<800xi32, #tpu.memory_space<vmem>> -> memref<80xi32, #tpu.memory_space<vmem>>
      %dma_wait3A_269 = arith.constant 0 : i32
      %dma_wait3A_270 = arith.constant 0 : i32
      %dma_wait3A_271 = tpu.memref_slice %arg5[%dma_wait3A_269, %dma_wait3A_270] : memref<1000x64xf32, #tpu.memory_space<hbm>> -> memref<1000x64xf32, #tpu.memory_space<hbm>>
      tpu.wait_indirect_dma semaphore(%arg12 : memref<!tpu.dma_semaphore, #tpu.memory_space<semaphore_mem>>) src(%dma_wait3A_271 : memref<1000x64xf32, #tpu.memory_space<hbm>>) dst(%dma_wait3A_266 : memref<80x64xf32, #tpu.memory_space<vmem>>)
      %dma_wait3A_272 = arith.constant 0 : i32
      %dma_wait3A_273 = arith.constant 80 : i32
      %dma_wait3A_274 = arith.constant 0 : i32
      %dma_wait3A_275 = tpu.memref_slice %arg9[%dma_wait3A_272, %dma_wait3A_273, %dma_wait3A_274] : memref<4x200x64xf32, #tpu.memory_space<vmem>> -> memref<1x80x64xf32, #tpu.memory_space<vmem>>
      %dma_wait3A_276 = tpu.memref_squeeze %dma_wait3A_275 : memref<1x80x64xf32, #tpu.memory_space<vmem>> -> memref<80x64xf32, #tpu.memory_space<vmem>>
      %dma_wait3A_277 = arith.constant 80 : i32
      %dma_wait3A_278 = tpu.memref_slice %arg7[%dma_wait3A_277] : memref<800xi32, #tpu.memory_space<vmem>> -> memref<80xi32, #tpu.memory_space<vmem>>
      %dma_wait3A_279 = arith.constant 0 : i32
      %dma_wait3A_280 = arith.constant 0 : i32
      %dma_wait3A_281 = tpu.memref_slice %arg4[%dma_wait3A_279, %dma_wait3A_280] : memref<1000000x64xf32, #tpu.memory_space<hbm>> -> memref<1000000x64xf32, #tpu.memory_space<hbm>>
      tpu.wait_indirect_dma semaphore(%arg11 : memref<!tpu.dma_semaphore, #tpu.memory_space<semaphore_mem>>) src(%dma_wait3A_281 : memref<1000000x64xf32, #tpu.memory_space<hbm>>) dst(%dma_wait3A_276 : memref<80x64xf32, #tpu.memory_space<vmem>>)
      %dma_wait3A_282 = arith.constant 0 : i32
      %dma_wait3A_283 = arith.constant 80 : i32
      %dma_wait3A_284 = arith.constant 0 : i32
      %dma_wait3A_285 = tpu.memref_slice %arg10[%dma_wait3A_282, %dma_wait3A_283, %dma_wait3A_284] : memref<4x200x64xf32, #tpu.memory_space<vmem>> -> memref<1x80x64xf32, #tpu.memory_space<vmem>>
      %dma_wait3A_286 = tpu.memref_squeeze %dma_wait3A_285 : memref<1x80x64xf32, #tpu.memory_space<vmem>> -> memref<80x64xf32, #tpu.memory_space<vmem>>
      %dma_wait3A_287 = arith.constant 80 : i32
      %dma_wait3A_288 = tpu.memref_slice %arg8[%dma_wait3A_287] : memref<800xi32, #tpu.memory_space<vmem>> -> memref<80xi32, #tpu.memory_space<vmem>>
      %dma_wait3A_289 = arith.constant 0 : i32
      %dma_wait3A_290 = arith.constant 0 : i32
      %dma_wait3A_291 = tpu.memref_slice %arg5[%dma_wait3A_289, %dma_wait3A_290] : memref<1000x64xf32, #tpu.memory_space<hbm>> -> memref<1000x64xf32, #tpu.memory_space<hbm>>
      tpu.wait_indirect_dma semaphore(%arg12 : memref<!tpu.dma_semaphore, #tpu.memory_space<semaphore_mem>>) src(%dma_wait3A_291 : memref<1000x64xf32, #tpu.memory_space<hbm>>) dst(%dma_wait3A_286 : memref<80x64xf32, #tpu.memory_space<vmem>>)
      %dma_wait3A_292 = arith.constant 0 : i32
      %dma_wait3A_293 = arith.constant 160 : i32
      %dma_wait3A_294 = arith.constant 0 : i32
      %dma_wait3A_295 = tpu.memref_slice %arg9[%dma_wait3A_292, %dma_wait3A_293, %dma_wait3A_294] : memref<4x200x64xf32, #tpu.memory_space<vmem>> -> memref<1x40x64xf32, #tpu.memory_space<vmem>>
      %dma_wait3A_296 = tpu.memref_squeeze %dma_wait3A_295 : memref<1x40x64xf32, #tpu.memory_space<vmem>> -> memref<40x64xf32, #tpu.memory_space<vmem>>
      %dma_wait3A_297 = arith.constant 160 : i32
      %dma_wait3A_298 = tpu.memref_slice %arg7[%dma_wait3A_297] : memref<800xi32, #tpu.memory_space<vmem>> -> memref<40xi32, #tpu.memory_space<vmem>>
      %dma_wait3A_299 = arith.constant 0 : i32
      %dma_wait3A_300 = arith.constant 0 : i32
      %dma_wait3A_301 = tpu.memref_slice %arg4[%dma_wait3A_299, %dma_wait3A_300] : memref<1000000x64xf32, #tpu.memory_space<hbm>> -> memref<1000000x64xf32, #tpu.memory_space<hbm>>
      tpu.wait_indirect_dma semaphore(%arg11 : memref<!tpu.dma_semaphore, #tpu.memory_space<semaphore_mem>>) src(%dma_wait3A_301 : memref<1000000x64xf32, #tpu.memory_space<hbm>>) dst(%dma_wait3A_296 : memref<40x64xf32, #tpu.memory_space<vmem>>)
      %dma_wait3A_302 = arith.constant 0 : i32
      %dma_wait3A_303 = arith.constant 160 : i32
      %dma_wait3A_304 = arith.constant 0 : i32
      %dma_wait3A_305 = tpu.memref_slice %arg10[%dma_wait3A_302, %dma_wait3A_303, %dma_wait3A_304] : memref<4x200x64xf32, #tpu.memory_space<vmem>> -> memref<1x40x64xf32, #tpu.memory_space<vmem>>
      %dma_wait3A_306 = tpu.memref_squeeze %dma_wait3A_305 : memref<1x40x64xf32, #tpu.memory_space<vmem>> -> memref<40x64xf32, #tpu.memory_space<vmem>>
      %dma_wait3A_307 = arith.constant 160 : i32
      %dma_wait3A_308 = tpu.memref_slice %arg8[%dma_wait3A_307] : memref<800xi32, #tpu.memory_space<vmem>> -> memref<40xi32, #tpu.memory_space<vmem>>
      %dma_wait3A_309 = arith.constant 0 : i32
      %dma_wait3A_310 = arith.constant 0 : i32
      %dma_wait3A_311 = tpu.memref_slice %arg5[%dma_wait3A_309, %dma_wait3A_310] : memref<1000x64xf32, #tpu.memory_space<hbm>> -> memref<1000x64xf32, #tpu.memory_space<hbm>>
      tpu.wait_indirect_dma semaphore(%arg12 : memref<!tpu.dma_semaphore, #tpu.memory_space<semaphore_mem>>) src(%dma_wait3A_311 : memref<1000x64xf32, #tpu.memory_space<hbm>>) dst(%dma_wait3A_306 : memref<40x64xf32, #tpu.memory_space<vmem>>)
      %dma_wait3A_312 = arith.constant 1 : i32
      %dma_wait3A_313 = arith.constant 0 : i32
      %dma_wait3A_314 = arith.constant 0 : i32
      %dma_wait3A_315 = tpu.memref_slice %arg9[%dma_wait3A_312, %dma_wait3A_313, %dma_wait3A_314] : memref<4x200x64xf32, #tpu.memory_space<vmem>> -> memref<1x80x64xf32, #tpu.memory_space<vmem>>
      %dma_wait3A_316 = tpu.memref_squeeze %dma_wait3A_315 : memref<1x80x64xf32, #tpu.memory_space<vmem>> -> memref<80x64xf32, #tpu.memory_space<vmem>>
      %dma_wait3A_317 = arith.constant 200 : i32
      %dma_wait3A_318 = tpu.memref_slice %arg7[%dma_wait3A_317] : memref<800xi32, #tpu.memory_space<vmem>> -> memref<80xi32, #tpu.memory_space<vmem>>
      %dma_wait3A_319 = arith.constant 0 : i32
      %dma_wait3A_320 = arith.constant 0 : i32
      %dma_wait3A_321 = tpu.memref_slice %arg4[%dma_wait3A_319, %dma_wait3A_320] : memref<1000000x64xf32, #tpu.memory_space<hbm>> -> memref<1000000x64xf32, #tpu.memory_space<hbm>>
      tpu.wait_indirect_dma semaphore(%arg11 : memref<!tpu.dma_semaphore, #tpu.memory_space<semaphore_mem>>) src(%dma_wait3A_321 : memref<1000000x64xf32, #tpu.memory_space<hbm>>) dst(%dma_wait3A_316 : memref<80x64xf32, #tpu.memory_space<vmem>>)
      %dma_wait3A_322 = arith.constant 1 : i32
      %dma_wait3A_323 = arith.constant 0 : i32
      %dma_wait3A_324 = arith.constant 0 : i32
      %dma_wait3A_325 = tpu.memref_slice %arg10[%dma_wait3A_322, %dma_wait3A_323, %dma_wait3A_324] : memref<4x200x64xf32, #tpu.memory_space<vmem>> -> memref<1x80x64xf32, #tpu.memory_space<vmem>>
      %dma_wait3A_326 = tpu.memref_squeeze %dma_wait3A_325 : memref<1x80x64xf32, #tpu.memory_space<vmem>> -> memref<80x64xf32, #tpu.memory_space<vmem>>
      %dma_wait3A_327 = arith.constant 200 : i32
      %dma_wait3A_328 = tpu.memref_slice %arg8[%dma_wait3A_327] : memref<800xi32, #tpu.memory_space<vmem>> -> memref<80xi32, #tpu.memory_space<vmem>>
      %dma_wait3A_329 = arith.constant 0 : i32
      %dma_wait3A_330 = arith.constant 0 : i32
      %dma_wait3A_331 = tpu.memref_slice %arg5[%dma_wait3A_329, %dma_wait3A_330] : memref<1000x64xf32, #tpu.memory_space<hbm>> -> memref<1000x64xf32, #tpu.memory_space<hbm>>
      tpu.wait_indirect_dma semaphore(%arg12 : memref<!tpu.dma_semaphore, #tpu.memory_space<semaphore_mem>>) src(%dma_wait3A_331 : memref<1000x64xf32, #tpu.memory_space<hbm>>) dst(%dma_wait3A_326 : memref<80x64xf32, #tpu.memory_space<vmem>>)
      %dma_wait3A_332 = arith.constant 1 : i32
      %dma_wait3A_333 = arith.constant 80 : i32
      %dma_wait3A_334 = arith.constant 0 : i32
      %dma_wait3A_335 = tpu.memref_slice %arg9[%dma_wait3A_332, %dma_wait3A_333, %dma_wait3A_334] : memref<4x200x64xf32, #tpu.memory_space<vmem>> -> memref<1x80x64xf32, #tpu.memory_space<vmem>>
      %dma_wait3A_336 = tpu.memref_squeeze %dma_wait3A_335 : memref<1x80x64xf32, #tpu.memory_space<vmem>> -> memref<80x64xf32, #tpu.memory_space<vmem>>
      %dma_wait3A_337 = arith.constant 280 : i32
      %dma_wait3A_338 = tpu.memref_slice %arg7[%dma_wait3A_337] : memref<800xi32, #tpu.memory_space<vmem>> -> memref<80xi32, #tpu.memory_space<vmem>>
      %dma_wait3A_339 = arith.constant 0 : i32
      %dma_wait3A_340 = arith.constant 0 : i32
      %dma_wait3A_341 = tpu.memref_slice %arg4[%dma_wait3A_339, %dma_wait3A_340] : memref<1000000x64xf32, #tpu.memory_space<hbm>> -> memref<1000000x64xf32, #tpu.memory_space<hbm>>
      tpu.wait_indirect_dma semaphore(%arg11 : memref<!tpu.dma_semaphore, #tpu.memory_space<semaphore_mem>>) src(%dma_wait3A_341 : memref<1000000x64xf32, #tpu.memory_space<hbm>>) dst(%dma_wait3A_336 : memref<80x64xf32, #tpu.memory_space<vmem>>)
      %dma_wait3A_342 = arith.constant 1 : i32
      %dma_wait3A_343 = arith.constant 80 : i32
      %dma_wait3A_344 = arith.constant 0 : i32
      %dma_wait3A_345 = tpu.memref_slice %arg10[%dma_wait3A_342, %dma_wait3A_343, %dma_wait3A_344] : memref<4x200x64xf32, #tpu.memory_space<vmem>> -> memref<1x80x64xf32, #tpu.memory_space<vmem>>
      %dma_wait3A_346 = tpu.memref_squeeze %dma_wait3A_345 : memref<1x80x64xf32, #tpu.memory_space<vmem>> -> memref<80x64xf32, #tpu.memory_space<vmem>>
      %dma_wait3A_347 = arith.constant 280 : i32
      %dma_wait3A_348 = tpu.memref_slice %arg8[%dma_wait3A_347] : memref<800xi32, #tpu.memory_space<vmem>> -> memref<80xi32, #tpu.memory_space<vmem>>
      %dma_wait3A_349 = arith.constant 0 : i32
      %dma_wait3A_350 = arith.constant 0 : i32
      %dma_wait3A_351 = tpu.memref_slice %arg5[%dma_wait3A_349, %dma_wait3A_350] : memref<1000x64xf32, #tpu.memory_space<hbm>> -> memref<1000x64xf32, #tpu.memory_space<hbm>>
      tpu.wait_indirect_dma semaphore(%arg12 : memref<!tpu.dma_semaphore, #tpu.memory_space<semaphore_mem>>) src(%dma_wait3A_351 : memref<1000x64xf32, #tpu.memory_space<hbm>>) dst(%dma_wait3A_346 : memref<80x64xf32, #tpu.memory_space<vmem>>)
      %dma_wait3A_352 = arith.constant 1 : i32
      %dma_wait3A_353 = arith.constant 160 : i32
      %dma_wait3A_354 = arith.constant 0 : i32
      %dma_wait3A_355 = tpu.memref_slice %arg9[%dma_wait3A_352, %dma_wait3A_353, %dma_wait3A_354] : memref<4x200x64xf32, #tpu.memory_space<vmem>> -> memref<1x40x64xf32, #tpu.memory_space<vmem>>
      %dma_wait3A_356 = tpu.memref_squeeze %dma_wait3A_355 : memref<1x40x64xf32, #tpu.memory_space<vmem>> -> memref<40x64xf32, #tpu.memory_space<vmem>>
      %dma_wait3A_357 = arith.constant 360 : i32
      %dma_wait3A_358 = tpu.memref_slice %arg7[%dma_wait3A_357] : memref<800xi32, #tpu.memory_space<vmem>> -> memref<40xi32, #tpu.memory_space<vmem>>
      %dma_wait3A_359 = arith.constant 0 : i32
      %dma_wait3A_360 = arith.constant 0 : i32
      %dma_wait3A_361 = tpu.memref_slice %arg4[%dma_wait3A_359, %dma_wait3A_360] : memref<1000000x64xf32, #tpu.memory_space<hbm>> -> memref<1000000x64xf32, #tpu.memory_space<hbm>>
      tpu.wait_indirect_dma semaphore(%arg11 : memref<!tpu.dma_semaphore, #tpu.memory_space<semaphore_mem>>) src(%dma_wait3A_361 : memref<1000000x64xf32, #tpu.memory_space<hbm>>) dst(%dma_wait3A_356 : memref<40x64xf32, #tpu.memory_space<vmem>>)
      %dma_wait3A_362 = arith.constant 1 : i32
      %dma_wait3A_363 = arith.constant 160 : i32
      %dma_wait3A_364 = arith.constant 0 : i32
      %dma_wait3A_365 = tpu.memref_slice %arg10[%dma_wait3A_362, %dma_wait3A_363, %dma_wait3A_364] : memref<4x200x64xf32, #tpu.memory_space<vmem>> -> memref<1x40x64xf32, #tpu.memory_space<vmem>>
      %dma_wait3A_366 = tpu.memref_squeeze %dma_wait3A_365 : memref<1x40x64xf32, #tpu.memory_space<vmem>> -> memref<40x64xf32, #tpu.memory_space<vmem>>
      %dma_wait3A_367 = arith.constant 360 : i32
      %dma_wait3A_368 = tpu.memref_slice %arg8[%dma_wait3A_367] : memref<800xi32, #tpu.memory_space<vmem>> -> memref<40xi32, #tpu.memory_space<vmem>>
      %dma_wait3A_369 = arith.constant 0 : i32
      %dma_wait3A_370 = arith.constant 0 : i32
      %dma_wait3A_371 = tpu.memref_slice %arg5[%dma_wait3A_369, %dma_wait3A_370] : memref<1000x64xf32, #tpu.memory_space<hbm>> -> memref<1000x64xf32, #tpu.memory_space<hbm>>
      tpu.wait_indirect_dma semaphore(%arg12 : memref<!tpu.dma_semaphore, #tpu.memory_space<semaphore_mem>>) src(%dma_wait3A_371 : memref<1000x64xf32, #tpu.memory_space<hbm>>) dst(%dma_wait3A_366 : memref<40x64xf32, #tpu.memory_space<vmem>>)
      %dma_wait3A_372 = arith.constant 2 : i32
      %dma_wait3A_373 = arith.constant 0 : i32
      %dma_wait3A_374 = arith.constant 0 : i32
      %dma_wait3A_375 = tpu.memref_slice %arg9[%dma_wait3A_372, %dma_wait3A_373, %dma_wait3A_374] : memref<4x200x64xf32, #tpu.memory_space<vmem>> -> memref<1x80x64xf32, #tpu.memory_space<vmem>>
      %dma_wait3A_376 = tpu.memref_squeeze %dma_wait3A_375 : memref<1x80x64xf32, #tpu.memory_space<vmem>> -> memref<80x64xf32, #tpu.memory_space<vmem>>
      %dma_wait3A_377 = arith.constant 400 : i32
      %dma_wait3A_378 = tpu.memref_slice %arg7[%dma_wait3A_377] : memref<800xi32, #tpu.memory_space<vmem>> -> memref<80xi32, #tpu.memory_space<vmem>>
      %dma_wait3A_379 = arith.constant 0 : i32
      %dma_wait3A_380 = arith.constant 0 : i32
      %dma_wait3A_381 = tpu.memref_slice %arg4[%dma_wait3A_379, %dma_wait3A_380] : memref<1000000x64xf32, #tpu.memory_space<hbm>> -> memref<1000000x64xf32, #tpu.memory_space<hbm>>
      tpu.wait_indirect_dma semaphore(%arg11 : memref<!tpu.dma_semaphore, #tpu.memory_space<semaphore_mem>>) src(%dma_wait3A_381 : memref<1000000x64xf32, #tpu.memory_space<hbm>>) dst(%dma_wait3A_376 : memref<80x64xf32, #tpu.memory_space<vmem>>)
      %dma_wait3A_382 = arith.constant 2 : i32
      %dma_wait3A_383 = arith.constant 0 : i32
      %dma_wait3A_384 = arith.constant 0 : i32
      %dma_wait3A_385 = tpu.memref_slice %arg10[%dma_wait3A_382, %dma_wait3A_383, %dma_wait3A_384] : memref<4x200x64xf32, #tpu.memory_space<vmem>> -> memref<1x80x64xf32, #tpu.memory_space<vmem>>
      %dma_wait3A_386 = tpu.memref_squeeze %dma_wait3A_385 : memref<1x80x64xf32, #tpu.memory_space<vmem>> -> memref<80x64xf32, #tpu.memory_space<vmem>>
      %dma_wait3A_387 = arith.constant 400 : i32
      %dma_wait3A_388 = tpu.memref_slice %arg8[%dma_wait3A_387] : memref<800xi32, #tpu.memory_space<vmem>> -> memref<80xi32, #tpu.memory_space<vmem>>
      %dma_wait3A_389 = arith.constant 0 : i32
      %dma_wait3A_390 = arith.constant 0 : i32
      %dma_wait3A_391 = tpu.memref_slice %arg5[%dma_wait3A_389, %dma_wait3A_390] : memref<1000x64xf32, #tpu.memory_space<hbm>> -> memref<1000x64xf32, #tpu.memory_space<hbm>>
      tpu.wait_indirect_dma semaphore(%arg12 : memref<!tpu.dma_semaphore, #tpu.memory_space<semaphore_mem>>) src(%dma_wait3A_391 : memref<1000x64xf32, #tpu.memory_space<hbm>>) dst(%dma_wait3A_386 : memref<80x64xf32, #tpu.memory_space<vmem>>)
      %dma_wait3A_392 = arith.constant 2 : i32
      %dma_wait3A_393 = arith.constant 80 : i32
      %dma_wait3A_394 = arith.constant 0 : i32
      %dma_wait3A_395 = tpu.memref_slice %arg9[%dma_wait3A_392, %dma_wait3A_393, %dma_wait3A_394] : memref<4x200x64xf32, #tpu.memory_space<vmem>> -> memref<1x80x64xf32, #tpu.memory_space<vmem>>
      %dma_wait3A_396 = tpu.memref_squeeze %dma_wait3A_395 : memref<1x80x64xf32, #tpu.memory_space<vmem>> -> memref<80x64xf32, #tpu.memory_space<vmem>>
      %dma_wait3A_397 = arith.constant 480 : i32
      %dma_wait3A_398 = tpu.memref_slice %arg7[%dma_wait3A_397] : memref<800xi32, #tpu.memory_space<vmem>> -> memref<80xi32, #tpu.memory_space<vmem>>
      %dma_wait3A_399 = arith.constant 0 : i32
      %dma_wait3A_400 = arith.constant 0 : i32
      %dma_wait3A_401 = tpu.memref_slice %arg4[%dma_wait3A_399, %dma_wait3A_400] : memref<1000000x64xf32, #tpu.memory_space<hbm>> -> memref<1000000x64xf32, #tpu.memory_space<hbm>>
      tpu.wait_indirect_dma semaphore(%arg11 : memref<!tpu.dma_semaphore, #tpu.memory_space<semaphore_mem>>) src(%dma_wait3A_401 : memref<1000000x64xf32, #tpu.memory_space<hbm>>) dst(%dma_wait3A_396 : memref<80x64xf32, #tpu.memory_space<vmem>>)
      %dma_wait3A_402 = arith.constant 2 : i32
      %dma_wait3A_403 = arith.constant 80 : i32
      %dma_wait3A_404 = arith.constant 0 : i32
      %dma_wait3A_405 = tpu.memref_slice %arg10[%dma_wait3A_402, %dma_wait3A_403, %dma_wait3A_404] : memref<4x200x64xf32, #tpu.memory_space<vmem>> -> memref<1x80x64xf32, #tpu.memory_space<vmem>>
      %dma_wait3A_406 = tpu.memref_squeeze %dma_wait3A_405 : memref<1x80x64xf32, #tpu.memory_space<vmem>> -> memref<80x64xf32, #tpu.memory_space<vmem>>
      %dma_wait3A_407 = arith.constant 480 : i32
      %dma_wait3A_408 = tpu.memref_slice %arg8[%dma_wait3A_407] : memref<800xi32, #tpu.memory_space<vmem>> -> memref<80xi32, #tpu.memory_space<vmem>>
      %dma_wait3A_409 = arith.constant 0 : i32
      %dma_wait3A_410 = arith.constant 0 : i32
      %dma_wait3A_411 = tpu.memref_slice %arg5[%dma_wait3A_409, %dma_wait3A_410] : memref<1000x64xf32, #tpu.memory_space<hbm>> -> memref<1000x64xf32, #tpu.memory_space<hbm>>
      tpu.wait_indirect_dma semaphore(%arg12 : memref<!tpu.dma_semaphore, #tpu.memory_space<semaphore_mem>>) src(%dma_wait3A_411 : memref<1000x64xf32, #tpu.memory_space<hbm>>) dst(%dma_wait3A_406 : memref<80x64xf32, #tpu.memory_space<vmem>>)
      %dma_wait3A_412 = arith.constant 2 : i32
      %dma_wait3A_413 = arith.constant 160 : i32
      %dma_wait3A_414 = arith.constant 0 : i32
      %dma_wait3A_415 = tpu.memref_slice %arg9[%dma_wait3A_412, %dma_wait3A_413, %dma_wait3A_414] : memref<4x200x64xf32, #tpu.memory_space<vmem>> -> memref<1x40x64xf32, #tpu.memory_space<vmem>>
      %dma_wait3A_416 = tpu.memref_squeeze %dma_wait3A_415 : memref<1x40x64xf32, #tpu.memory_space<vmem>> -> memref<40x64xf32, #tpu.memory_space<vmem>>
      %dma_wait3A_417 = arith.constant 560 : i32
      %dma_wait3A_418 = tpu.memref_slice %arg7[%dma_wait3A_417] : memref<800xi32, #tpu.memory_space<vmem>> -> memref<40xi32, #tpu.memory_space<vmem>>
      %dma_wait3A_419 = arith.constant 0 : i32
      %dma_wait3A_420 = arith.constant 0 : i32
      %dma_wait3A_421 = tpu.memref_slice %arg4[%dma_wait3A_419, %dma_wait3A_420] : memref<1000000x64xf32, #tpu.memory_space<hbm>> -> memref<1000000x64xf32, #tpu.memory_space<hbm>>
      tpu.wait_indirect_dma semaphore(%arg11 : memref<!tpu.dma_semaphore, #tpu.memory_space<semaphore_mem>>) src(%dma_wait3A_421 : memref<1000000x64xf32, #tpu.memory_space<hbm>>) dst(%dma_wait3A_416 : memref<40x64xf32, #tpu.memory_space<vmem>>)
      %dma_wait3A_422 = arith.constant 2 : i32
      %dma_wait3A_423 = arith.constant 160 : i32
      %dma_wait3A_424 = arith.constant 0 : i32
      %dma_wait3A_425 = tpu.memref_slice %arg10[%dma_wait3A_422, %dma_wait3A_423, %dma_wait3A_424] : memref<4x200x64xf32, #tpu.memory_space<vmem>> -> memref<1x40x64xf32, #tpu.memory_space<vmem>>
      %dma_wait3A_426 = tpu.memref_squeeze %dma_wait3A_425 : memref<1x40x64xf32, #tpu.memory_space<vmem>> -> memref<40x64xf32, #tpu.memory_space<vmem>>
      %dma_wait3A_427 = arith.constant 560 : i32
      %dma_wait3A_428 = tpu.memref_slice %arg8[%dma_wait3A_427] : memref<800xi32, #tpu.memory_space<vmem>> -> memref<40xi32, #tpu.memory_space<vmem>>
      %dma_wait3A_429 = arith.constant 0 : i32
      %dma_wait3A_430 = arith.constant 0 : i32
      %dma_wait3A_431 = tpu.memref_slice %arg5[%dma_wait3A_429, %dma_wait3A_430] : memref<1000x64xf32, #tpu.memory_space<hbm>> -> memref<1000x64xf32, #tpu.memory_space<hbm>>
      tpu.wait_indirect_dma semaphore(%arg12 : memref<!tpu.dma_semaphore, #tpu.memory_space<semaphore_mem>>) src(%dma_wait3A_431 : memref<1000x64xf32, #tpu.memory_space<hbm>>) dst(%dma_wait3A_426 : memref<40x64xf32, #tpu.memory_space<vmem>>)
      %dma_wait3A_432 = arith.constant 3 : i32
      %dma_wait3A_433 = arith.constant 0 : i32
      %dma_wait3A_434 = arith.constant 0 : i32
      %dma_wait3A_435 = tpu.memref_slice %arg9[%dma_wait3A_432, %dma_wait3A_433, %dma_wait3A_434] : memref<4x200x64xf32, #tpu.memory_space<vmem>> -> memref<1x80x64xf32, #tpu.memory_space<vmem>>
      %dma_wait3A_436 = tpu.memref_squeeze %dma_wait3A_435 : memref<1x80x64xf32, #tpu.memory_space<vmem>> -> memref<80x64xf32, #tpu.memory_space<vmem>>
      %dma_wait3A_437 = arith.constant 600 : i32
      %dma_wait3A_438 = tpu.memref_slice %arg7[%dma_wait3A_437] : memref<800xi32, #tpu.memory_space<vmem>> -> memref<80xi32, #tpu.memory_space<vmem>>
      %dma_wait3A_439 = arith.constant 0 : i32
      %dma_wait3A_440 = arith.constant 0 : i32
      %dma_wait3A_441 = tpu.memref_slice %arg4[%dma_wait3A_439, %dma_wait3A_440] : memref<1000000x64xf32, #tpu.memory_space<hbm>> -> memref<1000000x64xf32, #tpu.memory_space<hbm>>
      tpu.wait_indirect_dma semaphore(%arg11 : memref<!tpu.dma_semaphore, #tpu.memory_space<semaphore_mem>>) src(%dma_wait3A_441 : memref<1000000x64xf32, #tpu.memory_space<hbm>>) dst(%dma_wait3A_436 : memref<80x64xf32, #tpu.memory_space<vmem>>)
      %dma_wait3A_442 = arith.constant 3 : i32
      %dma_wait3A_443 = arith.constant 0 : i32
      %dma_wait3A_444 = arith.constant 0 : i32
      %dma_wait3A_445 = tpu.memref_slice %arg10[%dma_wait3A_442, %dma_wait3A_443, %dma_wait3A_444] : memref<4x200x64xf32, #tpu.memory_space<vmem>> -> memref<1x80x64xf32, #tpu.memory_space<vmem>>
      %dma_wait3A_446 = tpu.memref_squeeze %dma_wait3A_445 : memref<1x80x64xf32, #tpu.memory_space<vmem>> -> memref<80x64xf32, #tpu.memory_space<vmem>>
      %dma_wait3A_447 = arith.constant 600 : i32
      %dma_wait3A_448 = tpu.memref_slice %arg8[%dma_wait3A_447] : memref<800xi32, #tpu.memory_space<vmem>> -> memref<80xi32, #tpu.memory_space<vmem>>
      %dma_wait3A_449 = arith.constant 0 : i32
      %dma_wait3A_450 = arith.constant 0 : i32
      %dma_wait3A_451 = tpu.memref_slice %arg5[%dma_wait3A_449, %dma_wait3A_450] : memref<1000x64xf32, #tpu.memory_space<hbm>> -> memref<1000x64xf32, #tpu.memory_space<hbm>>
      tpu.wait_indirect_dma semaphore(%arg12 : memref<!tpu.dma_semaphore, #tpu.memory_space<semaphore_mem>>) src(%dma_wait3A_451 : memref<1000x64xf32, #tpu.memory_space<hbm>>) dst(%dma_wait3A_446 : memref<80x64xf32, #tpu.memory_space<vmem>>)
      %dma_wait3A_452 = arith.constant 3 : i32
      %dma_wait3A_453 = arith.constant 80 : i32
      %dma_wait3A_454 = arith.constant 0 : i32
      %dma_wait3A_455 = tpu.memref_slice %arg9[%dma_wait3A_452, %dma_wait3A_453, %dma_wait3A_454] : memref<4x200x64xf32, #tpu.memory_space<vmem>> -> memref<1x80x64xf32, #tpu.memory_space<vmem>>
      %dma_wait3A_456 = tpu.memref_squeeze %dma_wait3A_455 : memref<1x80x64xf32, #tpu.memory_space<vmem>> -> memref<80x64xf32, #tpu.memory_space<vmem>>
      %dma_wait3A_457 = arith.constant 680 : i32
      %dma_wait3A_458 = tpu.memref_slice %arg7[%dma_wait3A_457] : memref<800xi32, #tpu.memory_space<vmem>> -> memref<80xi32, #tpu.memory_space<vmem>>
      %dma_wait3A_459 = arith.constant 0 : i32
      %dma_wait3A_460 = arith.constant 0 : i32
      %dma_wait3A_461 = tpu.memref_slice %arg4[%dma_wait3A_459, %dma_wait3A_460] : memref<1000000x64xf32, #tpu.memory_space<hbm>> -> memref<1000000x64xf32, #tpu.memory_space<hbm>>
      tpu.wait_indirect_dma semaphore(%arg11 : memref<!tpu.dma_semaphore, #tpu.memory_space<semaphore_mem>>) src(%dma_wait3A_461 : memref<1000000x64xf32, #tpu.memory_space<hbm>>) dst(%dma_wait3A_456 : memref<80x64xf32, #tpu.memory_space<vmem>>)
      %dma_wait3A_462 = arith.constant 3 : i32
      %dma_wait3A_463 = arith.constant 80 : i32
      %dma_wait3A_464 = arith.constant 0 : i32
      %dma_wait3A_465 = tpu.memref_slice %arg10[%dma_wait3A_462, %dma_wait3A_463, %dma_wait3A_464] : memref<4x200x64xf32, #tpu.memory_space<vmem>> -> memref<1x80x64xf32, #tpu.memory_space<vmem>>
      %dma_wait3A_466 = tpu.memref_squeeze %dma_wait3A_465 : memref<1x80x64xf32, #tpu.memory_space<vmem>> -> memref<80x64xf32, #tpu.memory_space<vmem>>
      %dma_wait3A_467 = arith.constant 680 : i32
      %dma_wait3A_468 = tpu.memref_slice %arg8[%dma_wait3A_467] : memref<800xi32, #tpu.memory_space<vmem>> -> memref<80xi32, #tpu.memory_space<vmem>>
      %dma_wait3A_469 = arith.constant 0 : i32
      %dma_wait3A_470 = arith.constant 0 : i32
      %dma_wait3A_471 = tpu.memref_slice %arg5[%dma_wait3A_469, %dma_wait3A_470] : memref<1000x64xf32, #tpu.memory_space<hbm>> -> memref<1000x64xf32, #tpu.memory_space<hbm>>
      tpu.wait_indirect_dma semaphore(%arg12 : memref<!tpu.dma_semaphore, #tpu.memory_space<semaphore_mem>>) src(%dma_wait3A_471 : memref<1000x64xf32, #tpu.memory_space<hbm>>) dst(%dma_wait3A_466 : memref<80x64xf32, #tpu.memory_space<vmem>>)
      %dma_wait3A_472 = arith.constant 3 : i32
      %dma_wait3A_473 = arith.constant 160 : i32
      %dma_wait3A_474 = arith.constant 0 : i32
      %dma_wait3A_475 = tpu.memref_slice %arg9[%dma_wait3A_472, %dma_wait3A_473, %dma_wait3A_474] : memref<4x200x64xf32, #tpu.memory_space<vmem>> -> memref<1x40x64xf32, #tpu.memory_space<vmem>>
      %dma_wait3A_476 = tpu.memref_squeeze %dma_wait3A_475 : memref<1x40x64xf32, #tpu.memory_space<vmem>> -> memref<40x64xf32, #tpu.memory_space<vmem>>
      %dma_wait3A_477 = arith.constant 760 : i32
      %dma_wait3A_478 = tpu.memref_slice %arg7[%dma_wait3A_477] : memref<800xi32, #tpu.memory_space<vmem>> -> memref<40xi32, #tpu.memory_space<vmem>>
      %dma_wait3A_479 = arith.constant 0 : i32
      %dma_wait3A_480 = arith.constant 0 : i32
      %dma_wait3A_481 = tpu.memref_slice %arg4[%dma_wait3A_479, %dma_wait3A_480] : memref<1000000x64xf32, #tpu.memory_space<hbm>> -> memref<1000000x64xf32, #tpu.memory_space<hbm>>
      tpu.wait_indirect_dma semaphore(%arg11 : memref<!tpu.dma_semaphore, #tpu.memory_space<semaphore_mem>>) src(%dma_wait3A_481 : memref<1000000x64xf32, #tpu.memory_space<hbm>>) dst(%dma_wait3A_476 : memref<40x64xf32, #tpu.memory_space<vmem>>)
      %dma_wait3A_482 = arith.constant 3 : i32
      %dma_wait3A_483 = arith.constant 160 : i32
      %dma_wait3A_484 = arith.constant 0 : i32
      %dma_wait3A_485 = tpu.memref_slice %arg10[%dma_wait3A_482, %dma_wait3A_483, %dma_wait3A_484] : memref<4x200x64xf32, #tpu.memory_space<vmem>> -> memref<1x40x64xf32, #tpu.memory_space<vmem>>
      %dma_wait3A_486 = tpu.memref_squeeze %dma_wait3A_485 : memref<1x40x64xf32, #tpu.memory_space<vmem>> -> memref<40x64xf32, #tpu.memory_space<vmem>>
      %dma_wait3A_487 = arith.constant 760 : i32
      %dma_wait3A_488 = tpu.memref_slice %arg8[%dma_wait3A_487] : memref<800xi32, #tpu.memory_space<vmem>> -> memref<40xi32, #tpu.memory_space<vmem>>
      %dma_wait3A_489 = arith.constant 0 : i32
      %dma_wait3A_490 = arith.constant 0 : i32
      %dma_wait3A_491 = tpu.memref_slice %arg5[%dma_wait3A_489, %dma_wait3A_490] : memref<1000x64xf32, #tpu.memory_space<hbm>> -> memref<1000x64xf32, #tpu.memory_space<hbm>>
      tpu.wait_indirect_dma semaphore(%arg12 : memref<!tpu.dma_semaphore, #tpu.memory_space<semaphore_mem>>) src(%dma_wait3A_491 : memref<1000x64xf32, #tpu.memory_space<hbm>>) dst(%dma_wait3A_486 : memref<40x64xf32, #tpu.memory_space<vmem>>)
      %scan3A_492 = arith.constant 0 : i32
      %scan3A_493 = arith.constant 0 : i32
      %scan3A_494 = arith.constant 200 : i32
      %scan3A_495 = arith.addi %scan3A_493, %scan3A_494 : i32
      %scan3A_496 = arith.constant 1 : i32
      scf.for %scan3A_498 = %scan3A_493 to %scan3A_495 step %scan3A_496  : i32 {
        %get3A = arith.constant 0 : i32
        %get3A_499 = arith.index_cast %get3A : i32 to index
        %get3A_500 = arith.index_cast %scan3A_498 : i32 to index
        %get3A_501 = arith.constant 0 : index
        %get3A_502 = tpu.vector_load %arg9[%get3A_499, %get3A_500, %get3A_501] {strides = array<i32>} : memref<4x200x64xf32, #tpu.memory_space<vmem>>, vector<1x1x16xf32>,
        %get3A_503 = vector.shape_cast %get3A_502 : vector<1x1x16xf32> to vector<16xf32>
        %get3A_504 = arith.constant 0 : i32
        %get3A_505 = arith.index_cast %get3A_504 : i32 to index
        %get3A_506 = arith.index_cast %scan3A_498 : i32 to index
        %get3A_507 = arith.constant 0 : index
        %get3A_508 = tpu.vector_load %arg10[%get3A_505, %get3A_506, %get3A_507] {strides = array<i32>} : memref<4x200x64xf32, #tpu.memory_space<vmem>>, vector<1x1x16xf32>,
        %get3A_509 = vector.shape_cast %get3A_508 : vector<1x1x16xf32> to vector<16xf32>
        %add3A_510 = arith.addf %get3A_503, %get3A_509 : vector<16xf32>
        %swap3A = arith.constant 0 : i32
        %swap3A_511 = arith.index_cast %swap3A : i32 to index
        %swap3A_512 = arith.index_cast %scan3A_498 : i32 to index
        %swap3A_513 = arith.constant 0 : index
        %swap3A_514 = tpu.vector_load %arg9[%swap3A_511, %swap3A_512, %swap3A_513] {strides = array<i32>} : memref<4x200x64xf32, #tpu.memory_space<vmem>>, vector<1x1x16xf32>,
        %swap3A_515 = vector.shape_cast %swap3A_514 : vector<1x1x16xf32> to vector<16xf32>
        %swap3A_516 = vector.shape_cast %add3A_510 : vector<16xf32> to vector<1x1x16xf32>
        tpu.vector_store %arg9[%swap3A_511, %swap3A_512, %swap3A_513], %swap3A_516 {strides = array<i32>} : memref<4x200x64xf32, #tpu.memory_space<vmem>>, vector<1x1x16xf32>,
        %get3A_517 = arith.constant 0 : i32
        %get3A_518 = arith.index_cast %get3A_517 : i32 to index
        %get3A_519 = arith.index_cast %scan3A_498 : i32 to index
        %get3A_520 = arith.constant 16 : index
        %get3A_521 = tpu.vector_load %arg9[%get3A_518, %get3A_519, %get3A_520] {strides = array<i32>} : memref<4x200x64xf32, #tpu.memory_space<vmem>>, vector<1x1x16xf32>,
        %get3A_522 = vector.shape_cast %get3A_521 : vector<1x1x16xf32> to vector<16xf32>
        %get3A_523 = arith.constant 0 : i32
        %get3A_524 = arith.index_cast %get3A_523 : i32 to index
        %get3A_525 = arith.index_cast %scan3A_498 : i32 to index
        %get3A_526 = arith.constant 16 : index
        %get3A_527 = tpu.vector_load %arg10[%get3A_524, %get3A_525, %get3A_526] {strides = array<i32>} : memref<4x200x64xf32, #tpu.memory_space<vmem>>, vector<1x1x16xf32>,
        %get3A_528 = vector.shape_cast %get3A_527 : vector<1x1x16xf32> to vector<16xf32>
        %add3A_529 = arith.addf %get3A_522, %get3A_528 : vector<16xf32>
        %swap3A_530 = arith.constant 0 : i32
        %swap3A_531 = arith.index_cast %swap3A_530 : i32 to index
        %swap3A_532 = arith.index_cast %scan3A_498 : i32 to index
        %swap3A_533 = arith.constant 16 : index
        %swap3A_534 = tpu.vector_load %arg9[%swap3A_531, %swap3A_532, %swap3A_533] {strides = array<i32>} : memref<4x200x64xf32, #tpu.memory_space<vmem>>, vector<1x1x16xf32>,
        %swap3A_535 = vector.shape_cast %swap3A_534 : vector<1x1x16xf32> to vector<16xf32>
        %swap3A_536 = vector.shape_cast %add3A_529 : vector<16xf32> to vector<1x1x16xf32>
        tpu.vector_store %arg9[%swap3A_531, %swap3A_532, %swap3A_533], %swap3A_536 {strides = array<i32>} : memref<4x200x64xf32, #tpu.memory_space<vmem>>, vector<1x1x16xf32>,
        %get3A_537 = arith.constant 0 : i32
        %get3A_538 = arith.index_cast %get3A_537 : i32 to index
        %get3A_539 = arith.index_cast %scan3A_498 : i32 to index
        %get3A_540 = arith.constant 32 : index
        %get3A_541 = tpu.vector_load %arg9[%get3A_538, %get3A_539, %get3A_540] {strides = array<i32>} : memref<4x200x64xf32, #tpu.memory_space<vmem>>, vector<1x1x16xf32>,
        %get3A_542 = vector.shape_cast %get3A_541 : vector<1x1x16xf32> to vector<16xf32>
        %get3A_543 = arith.constant 0 : i32
        %get3A_544 = arith.index_cast %get3A_543 : i32 to index
        %get3A_545 = arith.index_cast %scan3A_498 : i32 to index
        %get3A_546 = arith.constant 32 : index
        %get3A_547 = tpu.vector_load %arg10[%get3A_544, %get3A_545, %get3A_546] {strides = array<i32>} : memref<4x200x64xf32, #tpu.memory_space<vmem>>, vector<1x1x16xf32>,
        %get3A_548 = vector.shape_cast %get3A_547 : vector<1x1x16xf32> to vector<16xf32>
        %add3A_549 = arith.addf %get3A_542, %get3A_548 : vector<16xf32>
        %swap3A_550 = arith.constant 0 : i32
        %swap3A_551 = arith.index_cast %swap3A_550 : i32 to index
        %swap3A_552 = arith.index_cast %scan3A_498 : i32 to index
        %swap3A_553 = arith.constant 32 : index
        %swap3A_554 = tpu.vector_load %arg9[%swap3A_551, %swap3A_552, %swap3A_553] {strides = array<i32>} : memref<4x200x64xf32, #tpu.memory_space<vmem>>, vector<1x1x16xf32>,
        %swap3A_555 = vector.shape_cast %swap3A_554 : vector<1x1x16xf32> to vector<16xf32>
        %swap3A_556 = vector.shape_cast %add3A_549 : vector<16xf32> to vector<1x1x16xf32>
        tpu.vector_store %arg9[%swap3A_551, %swap3A_552, %swap3A_553], %swap3A_556 {strides = array<i32>} : memref<4x200x64xf32, #tpu.memory_space<vmem>>, vector<1x1x16xf32>,
        %get3A_557 = arith.constant 0 : i32
        %get3A_558 = arith.index_cast %get3A_557 : i32 to index
        %get3A_559 = arith.index_cast %scan3A_498 : i32 to index
        %get3A_560 = arith.constant 48 : index
        %get3A_561 = tpu.vector_load %arg9[%get3A_558, %get3A_559, %get3A_560] {strides = array<i32>} : memref<4x200x64xf32, #tpu.memory_space<vmem>>, vector<1x1x16xf32>,
        %get3A_562 = vector.shape_cast %get3A_561 : vector<1x1x16xf32> to vector<16xf32>
        %get3A_563 = arith.constant 0 : i32
        %get3A_564 = arith.index_cast %get3A_563 : i32 to index
        %get3A_565 = arith.index_cast %scan3A_498 : i32 to index
        %get3A_566 = arith.constant 48 : index
        %get3A_567 = tpu.vector_load %arg10[%get3A_564, %get3A_565, %get3A_566] {strides = array<i32>} : memref<4x200x64xf32, #tpu.memory_space<vmem>>, vector<1x1x16xf32>,
        %get3A_568 = vector.shape_cast %get3A_567 : vector<1x1x16xf32> to vector<16xf32>
        %add3A_569 = arith.addf %get3A_562, %get3A_568 : vector<16xf32>
        %swap3A_570 = arith.constant 0 : i32
        %swap3A_571 = arith.index_cast %swap3A_570 : i32 to index
        %swap3A_572 = arith.index_cast %scan3A_498 : i32 to index
        %swap3A_573 = arith.constant 48 : index
        %swap3A_574 = tpu.vector_load %arg9[%swap3A_571, %swap3A_572, %swap3A_573] {strides = array<i32>} : memref<4x200x64xf32, #tpu.memory_space<vmem>>, vector<1x1x16xf32>,
        %swap3A_575 = vector.shape_cast %swap3A_574 : vector<1x1x16xf32> to vector<16xf32>
        %swap3A_576 = vector.shape_cast %add3A_569 : vector<16xf32> to vector<1x1x16xf32>
        tpu.vector_store %arg9[%swap3A_571, %swap3A_572, %swap3A_573], %swap3A_576 {strides = array<i32>} : memref<4x200x64xf32, #tpu.memory_space<vmem>>, vector<1x1x16xf32>,
        %get3A_577 = arith.constant 1 : i32
        %get3A_578 = arith.index_cast %get3A_577 : i32 to index
        %get3A_579 = arith.index_cast %scan3A_498 : i32 to index
        %get3A_580 = arith.constant 0 : index
        %get3A_581 = tpu.vector_load %arg9[%get3A_578, %get3A_579, %get3A_580] {strides = array<i32>} : memref<4x200x64xf32, #tpu.memory_space<vmem>>, vector<1x1x16xf32>,
        %get3A_582 = vector.shape_cast %get3A_581 : vector<1x1x16xf32> to vector<16xf32>
        %get3A_583 = arith.constant 1 : i32
        %get3A_584 = arith.index_cast %get3A_583 : i32 to index
        %get3A_585 = arith.index_cast %scan3A_498 : i32 to index
        %get3A_586 = arith.constant 0 : index
        %get3A_587 = tpu.vector_load %arg10[%get3A_584, %get3A_585, %get3A_586] {strides = array<i32>} : memref<4x200x64xf32, #tpu.memory_space<vmem>>, vector<1x1x16xf32>,
        %get3A_588 = vector.shape_cast %get3A_587 : vector<1x1x16xf32> to vector<16xf32>
        %add3A_589 = arith.addf %get3A_582, %get3A_588 : vector<16xf32>
        %swap3A_590 = arith.constant 1 : i32
        %swap3A_591 = arith.index_cast %swap3A_590 : i32 to index
        %swap3A_592 = arith.index_cast %scan3A_498 : i32 to index
        %swap3A_593 = arith.constant 0 : index
        %swap3A_594 = tpu.vector_load %arg9[%swap3A_591, %swap3A_592, %swap3A_593] {strides = array<i32>} : memref<4x200x64xf32, #tpu.memory_space<vmem>>, vector<1x1x16xf32>,
        %swap3A_595 = vector.shape_cast %swap3A_594 : vector<1x1x16xf32> to vector<16xf32>
        %swap3A_596 = vector.shape_cast %add3A_589 : vector<16xf32> to vector<1x1x16xf32>
        tpu.vector_store %arg9[%swap3A_591, %swap3A_592, %swap3A_593], %swap3A_596 {strides = array<i32>} : memref<4x200x64xf32, #tpu.memory_space<vmem>>, vector<1x1x16xf32>,
        %get3A_597 = arith.constant 1 : i32
        %get3A_598 = arith.index_cast %get3A_597 : i32 to index
        %get3A_599 = arith.index_cast %scan3A_498 : i32 to index
        %get3A_600 = arith.constant 16 : index
        %get3A_601 = tpu.vector_load %arg9[%get3A_598, %get3A_599, %get3A_600] {strides = array<i32>} : memref<4x200x64xf32, #tpu.memory_space<vmem>>, vector<1x1x16xf32>,
        %get3A_602 = vector.shape_cast %get3A_601 : vector<1x1x16xf32> to vector<16xf32>
        %get3A_603 = arith.constant 1 : i32
        %get3A_604 = arith.index_cast %get3A_603 : i32 to index
        %get3A_605 = arith.index_cast %scan3A_498 : i32 to index
        %get3A_606 = arith.constant 16 : index
        %get3A_607 = tpu.vector_load %arg10[%get3A_604, %get3A_605, %get3A_606] {strides = array<i32>} : memref<4x200x64xf32, #tpu.memory_space<vmem>>, vector<1x1x16xf32>,
        %get3A_608 = vector.shape_cast %get3A_607 : vector<1x1x16xf32> to vector<16xf32>
        %add3A_609 = arith.addf %get3A_602, %get3A_608 : vector<16xf32>
        %swap3A_610 = arith.constant 1 : i32
        %swap3A_611 = arith.index_cast %swap3A_610 : i32 to index
        %swap3A_612 = arith.index_cast %scan3A_498 : i32 to index
        %swap3A_613 = arith.constant 16 : index
        %swap3A_614 = tpu.vector_load %arg9[%swap3A_611, %swap3A_612, %swap3A_613] {strides = array<i32>} : memref<4x200x64xf32, #tpu.memory_space<vmem>>, vector<1x1x16xf32>,
        %swap3A_615 = vector.shape_cast %swap3A_614 : vector<1x1x16xf32> to vector<16xf32>
        %swap3A_616 = vector.shape_cast %add3A_609 : vector<16xf32> to vector<1x1x16xf32>
        tpu.vector_store %arg9[%swap3A_611, %swap3A_612, %swap3A_613], %swap3A_616 {strides = array<i32>} : memref<4x200x64xf32, #tpu.memory_space<vmem>>, vector<1x1x16xf32>,
        %get3A_617 = arith.constant 1 : i32
        %get3A_618 = arith.index_cast %get3A_617 : i32 to index
        %get3A_619 = arith.index_cast %scan3A_498 : i32 to index
        %get3A_620 = arith.constant 32 : index
        %get3A_621 = tpu.vector_load %arg9[%get3A_618, %get3A_619, %get3A_620] {strides = array<i32>} : memref<4x200x64xf32, #tpu.memory_space<vmem>>, vector<1x1x16xf32>,
        %get3A_622 = vector.shape_cast %get3A_621 : vector<1x1x16xf32> to vector<16xf32>
        %get3A_623 = arith.constant 1 : i32
        %get3A_624 = arith.index_cast %get3A_623 : i32 to index
        %get3A_625 = arith.index_cast %scan3A_498 : i32 to index
        %get3A_626 = arith.constant 32 : index
        %get3A_627 = tpu.vector_load %arg10[%get3A_624, %get3A_625, %get3A_626] {strides = array<i32>} : memref<4x200x64xf32, #tpu.memory_space<vmem>>, vector<1x1x16xf32>,
        %get3A_628 = vector.shape_cast %get3A_627 : vector<1x1x16xf32> to vector<16xf32>
        %add3A_629 = arith.addf %get3A_622, %get3A_628 : vector<16xf32>
        %swap3A_630 = arith.constant 1 : i32
        %swap3A_631 = arith.index_cast %swap3A_630 : i32 to index
        %swap3A_632 = arith.index_cast %scan3A_498 : i32 to index
        %swap3A_633 = arith.constant 32 : index
        %swap3A_634 = tpu.vector_load %arg9[%swap3A_631, %swap3A_632, %swap3A_633] {strides = array<i32>} : memref<4x200x64xf32, #tpu.memory_space<vmem>>, vector<1x1x16xf32>,
        %swap3A_635 = vector.shape_cast %swap3A_634 : vector<1x1x16xf32> to vector<16xf32>
        %swap3A_636 = vector.shape_cast %add3A_629 : vector<16xf32> to vector<1x1x16xf32>
        tpu.vector_store %arg9[%swap3A_631, %swap3A_632, %swap3A_633], %swap3A_636 {strides = array<i32>} : memref<4x200x64xf32, #tpu.memory_space<vmem>>, vector<1x1x16xf32>,
        %get3A_637 = arith.constant 1 : i32
        %get3A_638 = arith.index_cast %get3A_637 : i32 to index
        %get3A_639 = arith.index_cast %scan3A_498 : i32 to index
        %get3A_640 = arith.constant 48 : index
        %get3A_641 = tpu.vector_load %arg9[%get3A_638, %get3A_639, %get3A_640] {strides = array<i32>} : memref<4x200x64xf32, #tpu.memory_space<vmem>>, vector<1x1x16xf32>,
        %get3A_642 = vector.shape_cast %get3A_641 : vector<1x1x16xf32> to vector<16xf32>
        %get3A_643 = arith.constant 1 : i32
        %get3A_644 = arith.index_cast %get3A_643 : i32 to index
        %get3A_645 = arith.index_cast %scan3A_498 : i32 to index
        %get3A_646 = arith.constant 48 : index
        %get3A_647 = tpu.vector_load %arg10[%get3A_644, %get3A_645, %get3A_646] {strides = array<i32>} : memref<4x200x64xf32, #tpu.memory_space<vmem>>, vector<1x1x16xf32>,
        %get3A_648 = vector.shape_cast %get3A_647 : vector<1x1x16xf32> to vector<16xf32>
        %add3A_649 = arith.addf %get3A_642, %get3A_648 : vector<16xf32>
        %swap3A_650 = arith.constant 1 : i32
        %swap3A_651 = arith.index_cast %swap3A_650 : i32 to index
        %swap3A_652 = arith.index_cast %scan3A_498 : i32 to index
        %swap3A_653 = arith.constant 48 : index
        %swap3A_654 = tpu.vector_load %arg9[%swap3A_651, %swap3A_652, %swap3A_653] {strides = array<i32>} : memref<4x200x64xf32, #tpu.memory_space<vmem>>, vector<1x1x16xf32>,
        %swap3A_655 = vector.shape_cast %swap3A_654 : vector<1x1x16xf32> to vector<16xf32>
        %swap3A_656 = vector.shape_cast %add3A_649 : vector<16xf32> to vector<1x1x16xf32>
        tpu.vector_store %arg9[%swap3A_651, %swap3A_652, %swap3A_653], %swap3A_656 {strides = array<i32>} : memref<4x200x64xf32, #tpu.memory_space<vmem>>, vector<1x1x16xf32>,
        %get3A_657 = arith.constant 2 : i32
        %get3A_658 = arith.index_cast %get3A_657 : i32 to index
        %get3A_659 = arith.index_cast %scan3A_498 : i32 to index
        %get3A_660 = arith.constant 0 : index
        %get3A_661 = tpu.vector_load %arg9[%get3A_658, %get3A_659, %get3A_660] {strides = array<i32>} : memref<4x200x64xf32, #tpu.memory_space<vmem>>, vector<1x1x16xf32>,
        %get3A_662 = vector.shape_cast %get3A_661 : vector<1x1x16xf32> to vector<16xf32>
        %get3A_663 = arith.constant 2 : i32
        %get3A_664 = arith.index_cast %get3A_663 : i32 to index
        %get3A_665 = arith.index_cast %scan3A_498 : i32 to index
        %get3A_666 = arith.constant 0 : index
        %get3A_667 = tpu.vector_load %arg10[%get3A_664, %get3A_665, %get3A_666] {strides = array<i32>} : memref<4x200x64xf32, #tpu.memory_space<vmem>>, vector<1x1x16xf32>,
        %get3A_668 = vector.shape_cast %get3A_667 : vector<1x1x16xf32> to vector<16xf32>
        %add3A_669 = arith.addf %get3A_662, %get3A_668 : vector<16xf32>
        %swap3A_670 = arith.constant 2 : i32
        %swap3A_671 = arith.index_cast %swap3A_670 : i32 to index
        %swap3A_672 = arith.index_cast %scan3A_498 : i32 to index
        %swap3A_673 = arith.constant 0 : index
        %swap3A_674 = tpu.vector_load %arg9[%swap3A_671, %swap3A_672, %swap3A_673] {strides = array<i32>} : memref<4x200x64xf32, #tpu.memory_space<vmem>>, vector<1x1x16xf32>,
        %swap3A_675 = vector.shape_cast %swap3A_674 : vector<1x1x16xf32> to vector<16xf32>
        %swap3A_676 = vector.shape_cast %add3A_669 : vector<16xf32> to vector<1x1x16xf32>
        tpu.vector_store %arg9[%swap3A_671, %swap3A_672, %swap3A_673], %swap3A_676 {strides = array<i32>} : memref<4x200x64xf32, #tpu.memory_space<vmem>>, vector<1x1x16xf32>,
        %get3A_677 = arith.constant 2 : i32
        %get3A_678 = arith.index_cast %get3A_677 : i32 to index
        %get3A_679 = arith.index_cast %scan3A_498 : i32 to index
        %get3A_680 = arith.constant 16 : index
        %get3A_681 = tpu.vector_load %arg9[%get3A_678, %get3A_679, %get3A_680] {strides = array<i32>} : memref<4x200x64xf32, #tpu.memory_space<vmem>>, vector<1x1x16xf32>,
        %get3A_682 = vector.shape_cast %get3A_681 : vector<1x1x16xf32> to vector<16xf32>
        %get3A_683 = arith.constant 2 : i32
        %get3A_684 = arith.index_cast %get3A_683 : i32 to index
        %get3A_685 = arith.index_cast %scan3A_498 : i32 to index
        %get3A_686 = arith.constant 16 : index
        %get3A_687 = tpu.vector_load %arg10[%get3A_684, %get3A_685, %get3A_686] {strides = array<i32>} : memref<4x200x64xf32, #tpu.memory_space<vmem>>, vector<1x1x16xf32>,
        %get3A_688 = vector.shape_cast %get3A_687 : vector<1x1x16xf32> to vector<16xf32>
        %add3A_689 = arith.addf %get3A_682, %get3A_688 : vector<16xf32>
        %swap3A_690 = arith.constant 2 : i32
        %swap3A_691 = arith.index_cast %swap3A_690 : i32 to index
        %swap3A_692 = arith.index_cast %scan3A_498 : i32 to index
        %swap3A_693 = arith.constant 16 : index
        %swap3A_694 = tpu.vector_load %arg9[%swap3A_691, %swap3A_692, %swap3A_693] {strides = array<i32>} : memref<4x200x64xf32, #tpu.memory_space<vmem>>, vector<1x1x16xf32>,
        %swap3A_695 = vector.shape_cast %swap3A_694 : vector<1x1x16xf32> to vector<16xf32>
        %swap3A_696 = vector.shape_cast %add3A_689 : vector<16xf32> to vector<1x1x16xf32>
        tpu.vector_store %arg9[%swap3A_691, %swap3A_692, %swap3A_693], %swap3A_696 {strides = array<i32>} : memref<4x200x64xf32, #tpu.memory_space<vmem>>, vector<1x1x16xf32>,
        %get3A_697 = arith.constant 2 : i32
        %get3A_698 = arith.index_cast %get3A_697 : i32 to index
        %get3A_699 = arith.index_cast %scan3A_498 : i32 to index
        %get3A_700 = arith.constant 32 : index
        %get3A_701 = tpu.vector_load %arg9[%get3A_698, %get3A_699, %get3A_700] {strides = array<i32>} : memref<4x200x64xf32, #tpu.memory_space<vmem>>, vector<1x1x16xf32>,
        %get3A_702 = vector.shape_cast %get3A_701 : vector<1x1x16xf32> to vector<16xf32>
        %get3A_703 = arith.constant 2 : i32
        %get3A_704 = arith.index_cast %get3A_703 : i32 to index
        %get3A_705 = arith.index_cast %scan3A_498 : i32 to index
        %get3A_706 = arith.constant 32 : index
        %get3A_707 = tpu.vector_load %arg10[%get3A_704, %get3A_705, %get3A_706] {strides = array<i32>} : memref<4x200x64xf32, #tpu.memory_space<vmem>>, vector<1x1x16xf32>,
        %get3A_708 = vector.shape_cast %get3A_707 : vector<1x1x16xf32> to vector<16xf32>
        %add3A_709 = arith.addf %get3A_702, %get3A_708 : vector<16xf32>
        %swap3A_710 = arith.constant 2 : i32
        %swap3A_711 = arith.index_cast %swap3A_710 : i32 to index
        %swap3A_712 = arith.index_cast %scan3A_498 : i32 to index
        %swap3A_713 = arith.constant 32 : index
        %swap3A_714 = tpu.vector_load %arg9[%swap3A_711, %swap3A_712, %swap3A_713] {strides = array<i32>} : memref<4x200x64xf32, #tpu.memory_space<vmem>>, vector<1x1x16xf32>,
        %swap3A_715 = vector.shape_cast %swap3A_714 : vector<1x1x16xf32> to vector<16xf32>
        %swap3A_716 = vector.shape_cast %add3A_709 : vector<16xf32> to vector<1x1x16xf32>
        tpu.vector_store %arg9[%swap3A_711, %swap3A_712, %swap3A_713], %swap3A_716 {strides = array<i32>} : memref<4x200x64xf32, #tpu.memory_space<vmem>>, vector<1x1x16xf32>,
        %get3A_717 = arith.constant 2 : i32
        %get3A_718 = arith.index_cast %get3A_717 : i32 to index
        %get3A_719 = arith.index_cast %scan3A_498 : i32 to index
        %get3A_720 = arith.constant 48 : index
        %get3A_721 = tpu.vector_load %arg9[%get3A_718, %get3A_719, %get3A_720] {strides = array<i32>} : memref<4x200x64xf32, #tpu.memory_space<vmem>>, vector<1x1x16xf32>,
        %get3A_722 = vector.shape_cast %get3A_721 : vector<1x1x16xf32> to vector<16xf32>
        %get3A_723 = arith.constant 2 : i32
        %get3A_724 = arith.index_cast %get3A_723 : i32 to index
        %get3A_725 = arith.index_cast %scan3A_498 : i32 to index
        %get3A_726 = arith.constant 48 : index
        %get3A_727 = tpu.vector_load %arg10[%get3A_724, %get3A_725, %get3A_726] {strides = array<i32>} : memref<4x200x64xf32, #tpu.memory_space<vmem>>, vector<1x1x16xf32>,
        %get3A_728 = vector.shape_cast %get3A_727 : vector<1x1x16xf32> to vector<16xf32>
        %add3A_729 = arith.addf %get3A_722, %get3A_728 : vector<16xf32>
        %swap3A_730 = arith.constant 2 : i32
        %swap3A_731 = arith.index_cast %swap3A_730 : i32 to index
        %swap3A_732 = arith.index_cast %scan3A_498 : i32 to index
        %swap3A_733 = arith.constant 48 : index
        %swap3A_734 = tpu.vector_load %arg9[%swap3A_731, %swap3A_732, %swap3A_733] {strides = array<i32>} : memref<4x200x64xf32, #tpu.memory_space<vmem>>, vector<1x1x16xf32>,
        %swap3A_735 = vector.shape_cast %swap3A_734 : vector<1x1x16xf32> to vector<16xf32>
        %swap3A_736 = vector.shape_cast %add3A_729 : vector<16xf32> to vector<1x1x16xf32>
        tpu.vector_store %arg9[%swap3A_731, %swap3A_732, %swap3A_733], %swap3A_736 {strides = array<i32>} : memref<4x200x64xf32, #tpu.memory_space<vmem>>, vector<1x1x16xf32>,
        %get3A_737 = arith.constant 3 : i32
        %get3A_738 = arith.index_cast %get3A_737 : i32 to index
        %get3A_739 = arith.index_cast %scan3A_498 : i32 to index
        %get3A_740 = arith.constant 0 : index
        %get3A_741 = tpu.vector_load %arg9[%get3A_738, %get3A_739, %get3A_740] {strides = array<i32>} : memref<4x200x64xf32, #tpu.memory_space<vmem>>, vector<1x1x16xf32>,
        %get3A_742 = vector.shape_cast %get3A_741 : vector<1x1x16xf32> to vector<16xf32>
        %get3A_743 = arith.constant 3 : i32
        %get3A_744 = arith.index_cast %get3A_743 : i32 to index
        %get3A_745 = arith.index_cast %scan3A_498 : i32 to index
        %get3A_746 = arith.constant 0 : index
        %get3A_747 = tpu.vector_load %arg10[%get3A_744, %get3A_745, %get3A_746] {strides = array<i32>} : memref<4x200x64xf32, #tpu.memory_space<vmem>>, vector<1x1x16xf32>,
        %get3A_748 = vector.shape_cast %get3A_747 : vector<1x1x16xf32> to vector<16xf32>
        %add3A_749 = arith.addf %get3A_742, %get3A_748 : vector<16xf32>
        %swap3A_750 = arith.constant 3 : i32
        %swap3A_751 = arith.index_cast %swap3A_750 : i32 to index
        %swap3A_752 = arith.index_cast %scan3A_498 : i32 to index
        %swap3A_753 = arith.constant 0 : index
        %swap3A_754 = tpu.vector_load %arg9[%swap3A_751, %swap3A_752, %swap3A_753] {strides = array<i32>} : memref<4x200x64xf32, #tpu.memory_space<vmem>>, vector<1x1x16xf32>,
        %swap3A_755 = vector.shape_cast %swap3A_754 : vector<1x1x16xf32> to vector<16xf32>
        %swap3A_756 = vector.shape_cast %add3A_749 : vector<16xf32> to vector<1x1x16xf32>
        tpu.vector_store %arg9[%swap3A_751, %swap3A_752, %swap3A_753], %swap3A_756 {strides = array<i32>} : memref<4x200x64xf32, #tpu.memory_space<vmem>>, vector<1x1x16xf32>,
        %get3A_757 = arith.constant 3 : i32
        %get3A_758 = arith.index_cast %get3A_757 : i32 to index
        %get3A_759 = arith.index_cast %scan3A_498 : i32 to index
        %get3A_760 = arith.constant 16 : index
        %get3A_761 = tpu.vector_load %arg9[%get3A_758, %get3A_759, %get3A_760] {strides = array<i32>} : memref<4x200x64xf32, #tpu.memory_space<vmem>>, vector<1x1x16xf32>,
        %get3A_762 = vector.shape_cast %get3A_761 : vector<1x1x16xf32> to vector<16xf32>
        %get3A_763 = arith.constant 3 : i32
        %get3A_764 = arith.index_cast %get3A_763 : i32 to index
        %get3A_765 = arith.index_cast %scan3A_498 : i32 to index
        %get3A_766 = arith.constant 16 : index
        %get3A_767 = tpu.vector_load %arg10[%get3A_764, %get3A_765, %get3A_766] {strides = array<i32>} : memref<4x200x64xf32, #tpu.memory_space<vmem>>, vector<1x1x16xf32>,
        %get3A_768 = vector.shape_cast %get3A_767 : vector<1x1x16xf32> to vector<16xf32>
        %add3A_769 = arith.addf %get3A_762, %get3A_768 : vector<16xf32>
        %swap3A_770 = arith.constant 3 : i32
        %swap3A_771 = arith.index_cast %swap3A_770 : i32 to index
        %swap3A_772 = arith.index_cast %scan3A_498 : i32 to index
        %swap3A_773 = arith.constant 16 : index
        %swap3A_774 = tpu.vector_load %arg9[%swap3A_771, %swap3A_772, %swap3A_773] {strides = array<i32>} : memref<4x200x64xf32, #tpu.memory_space<vmem>>, vector<1x1x16xf32>,
        %swap3A_775 = vector.shape_cast %swap3A_774 : vector<1x1x16xf32> to vector<16xf32>
        %swap3A_776 = vector.shape_cast %add3A_769 : vector<16xf32> to vector<1x1x16xf32>
        tpu.vector_store %arg9[%swap3A_771, %swap3A_772, %swap3A_773], %swap3A_776 {strides = array<i32>} : memref<4x200x64xf32, #tpu.memory_space<vmem>>, vector<1x1x16xf32>,
        %get3A_777 = arith.constant 3 : i32
        %get3A_778 = arith.index_cast %get3A_777 : i32 to index
        %get3A_779 = arith.index_cast %scan3A_498 : i32 to index
        %get3A_780 = arith.constant 32 : index
        %get3A_781 = tpu.vector_load %arg9[%get3A_778, %get3A_779, %get3A_780] {strides = array<i32>} : memref<4x200x64xf32, #tpu.memory_space<vmem>>, vector<1x1x16xf32>,
        %get3A_782 = vector.shape_cast %get3A_781 : vector<1x1x16xf32> to vector<16xf32>
        %get3A_783 = arith.constant 3 : i32
        %get3A_784 = arith.index_cast %get3A_783 : i32 to index
        %get3A_785 = arith.index_cast %scan3A_498 : i32 to index
        %get3A_786 = arith.constant 32 : index
        %get3A_787 = tpu.vector_load %arg10[%get3A_784, %get3A_785, %get3A_786] {strides = array<i32>} : memref<4x200x64xf32, #tpu.memory_space<vmem>>, vector<1x1x16xf32>,
        %get3A_788 = vector.shape_cast %get3A_787 : vector<1x1x16xf32> to vector<16xf32>
        %add3A_789 = arith.addf %get3A_782, %get3A_788 : vector<16xf32>
        %swap3A_790 = arith.constant 3 : i32
        %swap3A_791 = arith.index_cast %swap3A_790 : i32 to index
        %swap3A_792 = arith.index_cast %scan3A_498 : i32 to index
        %swap3A_793 = arith.constant 32 : index
        %swap3A_794 = tpu.vector_load %arg9[%swap3A_791, %swap3A_792, %swap3A_793] {strides = array<i32>} : memref<4x200x64xf32, #tpu.memory_space<vmem>>, vector<1x1x16xf32>,
        %swap3A_795 = vector.shape_cast %swap3A_794 : vector<1x1x16xf32> to vector<16xf32>
        %swap3A_796 = vector.shape_cast %add3A_789 : vector<16xf32> to vector<1x1x16xf32>
        tpu.vector_store %arg9[%swap3A_791, %swap3A_792, %swap3A_793], %swap3A_796 {strides = array<i32>} : memref<4x200x64xf32, #tpu.memory_space<vmem>>, vector<1x1x16xf32>,
        %get3A_797 = arith.constant 3 : i32
        %get3A_798 = arith.index_cast %get3A_797 : i32 to index
        %get3A_799 = arith.index_cast %scan3A_498 : i32 to index
        %get3A_800 = arith.constant 48 : index
        %get3A_801 = tpu.vector_load %arg9[%get3A_798, %get3A_799, %get3A_800] {strides = array<i32>} : memref<4x200x64xf32, #tpu.memory_space<vmem>>, vector<1x1x16xf32>,
        %get3A_802 = vector.shape_cast %get3A_801 : vector<1x1x16xf32> to vector<16xf32>
        %get3A_803 = arith.constant 3 : i32
        %get3A_804 = arith.index_cast %get3A_803 : i32 to index
        %get3A_805 = arith.index_cast %scan3A_498 : i32 to index
        %get3A_806 = arith.constant 48 : index
        %get3A_807 = tpu.vector_load %arg10[%get3A_804, %get3A_805, %get3A_806] {strides = array<i32>} : memref<4x200x64xf32, #tpu.memory_space<vmem>>, vector<1x1x16xf32>,
        %get3A_808 = vector.shape_cast %get3A_807 : vector<1x1x16xf32> to vector<16xf32>
        %add3A_809 = arith.addf %get3A_802, %get3A_808 : vector<16xf32>
        %swap3A_810 = arith.constant 3 : i32
        %swap3A_811 = arith.index_cast %swap3A_810 : i32 to index
        %swap3A_812 = arith.index_cast %scan3A_498 : i32 to index
        %swap3A_813 = arith.constant 48 : index
        %swap3A_814 = tpu.vector_load %arg9[%swap3A_811, %swap3A_812, %swap3A_813] {strides = array<i32>} : memref<4x200x64xf32, #tpu.memory_space<vmem>>, vector<1x1x16xf32>,
        %swap3A_815 = vector.shape_cast %swap3A_814 : vector<1x1x16xf32> to vector<16xf32>
        %swap3A_816 = vector.shape_cast %add3A_809 : vector<16xf32> to vector<1x1x16xf32>
        tpu.vector_store %arg9[%swap3A_811, %swap3A_812, %swap3A_813], %swap3A_816 {strides = array<i32>} : memref<4x200x64xf32, #tpu.memory_space<vmem>>, vector<1x1x16xf32>,
      }
      %scan3A_497 = arith.constant 200 : i32
      "tpu.region"() ({
        %run_scoped3A = tpu.sem_alloc : memref<!tpu.dma_semaphore, #tpu.memory_space<semaphore_mem>>
        %dma_start3A_498 = arith.constant 0 : i32
        %dma_start3A_499 = arith.constant 0 : i32
        %dma_start3A_500 = tpu.memref_slice %arg6[%add3A_11, %dma_start3A_498, %dma_start3A_499] : memref<1024x200x64xf32, #tpu.memory_space<hbm>> -> memref<4x200x64xf32, #tpu.memory_space<hbm>>
        %dma_start3A_501 = arith.constant 0 : i32
        %dma_start3A_502 = arith.constant 0 : i32
        %dma_start3A_503 = tpu.memref_slice %arg6[%add3A_11, %dma_start3A_501, %dma_start3A_502] : memref<1024x200x64xf32, #tpu.memory_space<hbm>> -> memref<4x200x64xf32, #tpu.memory_space<hbm>>
        tpu.enqueue_dma source(%arg9 : memref<4x200x64xf32, #tpu.memory_space<vmem>>) target(%dma_start3A_503 : memref<4x200x64xf32, #tpu.memory_space<hbm>>) target_semaphore(%run_scoped3A : memref<!tpu.dma_semaphore, #tpu.memory_space<semaphore_mem>>)
        %dma_wait3A_504 = arith.constant 0 : i32
        %dma_wait3A_505 = arith.constant 0 : i32
        %dma_wait3A_506 = tpu.memref_slice %arg6[%add3A_11, %dma_wait3A_504, %dma_wait3A_505] : memref<1024x200x64xf32, #tpu.memory_space<hbm>> -> memref<4x200x64xf32, #tpu.memory_space<hbm>>
        %dma_wait3A_507 = arith.constant 0 : i32
        %dma_wait3A_508 = arith.constant 0 : i32
        %dma_wait3A_509 = tpu.memref_slice %arg6[%add3A_11, %dma_wait3A_507, %dma_wait3A_508] : memref<1024x200x64xf32, #tpu.memory_space<hbm>> -> memref<4x200x64xf32, #tpu.memory_space<hbm>>
        tpu.wait_dma2 semaphore(%run_scoped3A : memref<!tpu.dma_semaphore, #tpu.memory_space<semaphore_mem>>) src(%arg9 : memref<4x200x64xf32, #tpu.memory_space<vmem>>) dst(%dma_wait3A_509 : memref<4x200x64xf32, #tpu.memory_space<hbm>>)
        tpu.yield
      }) : () -> ()
    }
    %scan3A_5 = arith.constant 8 : i32
    return
  }
}

module attributes {stable_mosaic.version = 14 : i64} {
  func.func @_prep_body(%arg0: memref<5x64xf32, #tpu.memory_space<vmem>>, %arg1: memref<200x64xf32, #tpu.memory_space<vmem>>, %arg2: memref<1024x200xi32, #tpu.memory_space<vmem>>, %arg3: memref<1000x64xf32, #tpu.memory_space<vmem>>, %arg4: memref<1024x200xi32, #tpu.memory_space<vmem>>) attributes {dimension_semantics = [], scalar_prefetch = 0 : i64, scratch_operands = 0 : i64, tpu.core_type = #tpu.core_type<tc>} {
    %get3A = arith.constant 0 : index
    %get3A_0 = arith.constant 0 : index
    %get3A_1 = vector.load %arg0[%get3A, %get3A_0] : memref<5x64xf32, #tpu.memory_space<vmem>>, vector<5x64xf32>
    %broadcast_in_dim3A = vector.shape_cast %get3A_1 : vector<5x64xf32> to vector<5x1x64xf32>
    %get3A_2 = arith.constant 0 : index
    %get3A_3 = arith.constant 0 : index
    %get3A_4 = vector.load %arg1[%get3A_2, %get3A_3] : memref<200x64xf32, #tpu.memory_space<vmem>>, vector<200x64xf32>
    %broadcast_in_dim3A_5 = vector.shape_cast %get3A_4 : vector<200x64xf32> to vector<1x200x64xf32>
    %add3A = vector.broadcast %broadcast_in_dim3A : vector<5x1x64xf32> to vector<5x200x64xf32>
    %add3A_6 = vector.broadcast %broadcast_in_dim3A_5 : vector<1x200x64xf32> to vector<5x200x64xf32>
    %add3A_7 = arith.addf %add3A, %add3A_6 : vector<5x200x64xf32>
    %reshape3A = vector.shape_cast %add3A_7 : vector<5x200x64xf32> to vector<1000x64xf32>
    %swap3A = arith.constant 0 : index
    %swap3A_8 = arith.constant 0 : index
    %swap3A_9 = vector.load %arg3[%swap3A, %swap3A_8] : memref<1000x64xf32, #tpu.memory_space<vmem>>, vector<1000x64xf32>
    tpu.vector_store %arg3[%swap3A, %swap3A_8], %reshape3A {strides = array<i32>} : memref<1000x64xf32, #tpu.memory_space<vmem>>, vector<1000x64xf32>,
    %iota3A = tpu.iota {dimensions = array<i32: 1>} : vector<1024x200xi32>
    %get3A_10 = arith.constant 0 : index
    %get3A_11 = arith.constant 0 : index
    %get3A_12 = vector.load %arg2[%get3A_10, %get3A_11] : memref<1024x200xi32, #tpu.memory_space<vmem>>, vector<1024x200xi32>
    %mul3A = arith.constant 200 : i32
    %mul3A_13 = vector.broadcast %mul3A : i32 to vector<1024x200xi32>
    %mul3A_14 = arith.muli %get3A_12, %mul3A_13 : vector<1024x200xi32>
    %add3A_15 = arith.addi %mul3A_14, %iota3A : vector<1024x200xi32>
    %swap3A_16 = arith.constant 0 : index
    %swap3A_17 = arith.constant 0 : index
    %swap3A_18 = vector.load %arg4[%swap3A_16, %swap3A_17] : memref<1024x200xi32, #tpu.memory_space<vmem>>, vector<1024x200xi32>
    tpu.vector_store %arg4[%swap3A_16, %swap3A_17], %add3A_15 {strides = array<i32>} : memref<1024x200xi32, #tpu.memory_space<vmem>>, vector<1024x200xi32>,
    return
  }
}

</mosaic_0001>

<sc_bundles>
// kernel: kernel.4.cloned.1.call-start
scs
__scs_entry_jumppad:
0x0: {  	(pc) =	sbr.rel $0x88, $3  }
0x1: {  	(tag) =	ssettag $0x0;
	lr =	simm.s32 $0x1  }
0x2: {  	[smem:$0x3F9C] =	sst lr;
	_ =	strace $0xD0000000  }
0x3: {  	_ = 	snop  }
0x4: {  	_ = 	snop  }
0x5: {  	_ = 	snop  }
0x6: {  	_ = 	snop  }
0x7: {  	_ = 	snop  }
__scs_overlays_trampoline_lowered:
0x8: {  	[smem:$0x3FAB] =	sst s0  }
0x9: {  	[smem:$0x3FAC] =	sst s1  }
0xa: {  	[smem:$0x3FAD] =	sst s2  }
0xb: {  	[smem:$0x3FAE] =	sst s3  }
0xc: {  	[smem:$0x3FAF] =	sst s4  }
0xd: {  	[smem:$0x3FB0] =	sst s5  }
0xe: {  	[smem:$0x3FB1] =	sst s6  }
0xf: {  	[smem:$0x3FB2] =	sst s7  }
0x10: {  	[smem:$0x3FB3] =	sst s8  }
0x11: {  	[smem:$0x3FB4] =	sst s9;
	s0 =	simm.s32 @!p0 $0x0  }
0x12: {  	s1 =	sld [smem:$0x3F9A];
	s0 =	simm.s32 @p0 $0x1  }
0x13: {  	[smem:$0x3FB5] =	sst s0;
	s0 =	simm.s32 @!p1 $0x0  }
0x14: {  	s2 =	sld [smem:$0x3F99];
	s0 =	simm.s32 @p1 $0x1  }
0x15: {  	[smem:$0x3FB6] =	sst s0;
	s0 =	simm.s32 @!p2 $0x0  }
0x16: {  	s3 =	sld [smem:$0x3FDB];
	s0 =	simm.s32 @p2 $0x1  }
0x17: {  	s4 =	simm.s32 $0x1BF5;
	[smem:$0x3FB8] =	sst s0  }
0x18: {  	s0 =	sld [smem:$0x3F9B];
	_ =	swait.ge [sflag:s4], $0x0  }
0x19: {  	s7 =	sld [smem:$0x3F9C]  }
0x1a: {  	s8 =	sadd.s32 $0xFFFFE003, lr  }
0x1b: {  	s9 =	sadd.s32 $0xFFFFFEF7, lr;
	s5 =	simm.s32 $0xFFFFFFFF;
	p2 =	slt.u32 s8, $0xFFFFF086  }
0x1c: {  	p1 =	slt.u32 s9, $0xF7A;
	s5 =	simm.s32 @!p2 $0x0  }
0x1d: {  	s5 =	simm.s32 @p1 $0x1;
	p0 =	seq.s32 s7, s2  }
0x1e: {  	s7 =	smul.u32 @!p0 $0xF7A, s2;
	p2 =	seq.s32 @!p0 s5, $0x0  }
0x1f: {  	s9 =	smul.u32 $0xF7A, s1;
	s8 =	simm.s32 @!p0 $0x1BF5;
	p2 =	por !p2, p0  }
0x20: {  	[sflag:s8] =	ssyncset.s32 @!p0 $0xFFFFF086;
	s6 =	sadd.s32 @!p0 s3, s7;
	s7 =	simm.s32 @!p0 $0x108  }
0x21: {  	s3 =	sadd.s32 s3, s9;
	s6 =	sadd.s32 @!p0 $0x88, s6;
	s7 =	simm.s32 @p2 $0x1082  }
0x22: {  	[simem:s7], [sflag:s8] =	dma.local @!p0 [hbm:s6], $0xF7A  }
0x23: {  	s9 =	sor.u32 $0xD0000000, s2;
	s6 =	simm.s32 $0x108;
	_ =	swait.ge @!p0 [sflag:s8], $0x0  }
0x24: {  	s3 =	sadd.s32 $0x88, s3;
	s6 =	simm.s32 @!p1 $0x1082;
	[sflag:s4] =	ssyncset.s32 $0xFFFFF086  }
0x25: {  	[simem:s6], [sflag:s4] =	dma.local [hbm:s3], $0xF7A  }
0x26: {  	[smem:$0x3F9C] =	sst s1;
	(tag) =	ssettag s2;
	_ =	strace s9  }
0x27: {  	s1 =	sld [smem:$0x3FAC]  }
0x28: {  	s2 =	sld [smem:$0x3FAD]  }
0x29: {  	s4 =	sld [smem:$0x3FAF]  }
0x2a: {  	p0 =	seq.s32 s5, $0x0;
	s5 =	sld [smem:$0x3FB0]  }
0x2b: {  	s6 =	sld [smem:$0x3FB1]  }
0x2c: {  	s7 =	sld [smem:$0x3FB2]  }
0x2d: {  	s3 =	simm.s32 $0x108;
	s8 =	sld [smem:$0x3FB3]  }
0x2e: {  	s3 =	simm.s32 @!p0 $0x1082;
	s9 =	sld [smem:$0x3FB4]  }
0x2f: {  	lr =	sadd.s32 s0, s3;
	s0 =	sld [smem:$0x3FAB]  }
0x30: {  	s3 =	sld [smem:$0x3FAE]  }
0x31: {  	[smem:$0x3FB7] =	sst s10  }
0x32: {  	s10 =	sld [smem:$0x3FB5];
	_ =	sdelay $0x3  }
0x33: {  	p0 =	seq.s32 s10, $0x1;
	s10 =	sld [smem:$0x3FB7];
	_ =	sdelay $0x3  }
0x34: {  	[smem:$0x3FB7] =	sst s10  }
0x35: {  	s10 =	sld [smem:$0x3FB6];
	_ =	sdelay $0x3  }
0x36: {  	p1 =	seq.s32 s10, $0x1;
	s10 =	sld [smem:$0x3FB7];
	_ =	sdelay $0x3  }
0x37: {  	[smem:$0x3FB7] =	sst s10  }
0x38: {  	s10 =	sld [smem:$0x3FB8]  }
0x39: {  	_ = 	snop;
	(pc) =	sbr.ind lr, $3  }
0x3a: {  	_ = 	snop  }
0x3b: {  	_ = 	snop  }
0x3c: {  	p2 =	seq.s32 s10, $0x1;
	s10 =	sld [smem:$0x3FB7]  }
0x3d: {  	_ =	shalt  }
0x3e: {  	_ =	shalt  }
0x3f: {  	_ =	shalt  }
0x40: {  	_ =	shalt  }
0x41: {  	_ =	shalt  }
0x42: {  	_ =	shalt  }
0x43: {  	_ =	shalt  }
0x44: {  	_ =	shalt  }
0x45: {  	_ =	shalt  }
0x46: {  	_ =	shalt  }
0x47: {  	_ =	shalt  }
0x48: {  	_ =	shalt  }
0x49: {  	_ =	shalt  }
0x4a: {  	_ =	shalt  }
0x4b: {  	_ =	shalt  }
0x4c: {  	_ =	shalt  }
0x4d: {  	_ =	shalt  }
0x4e: {  	_ =	shalt  }
0x4f: {  	_ =	shalt  }
0x50: {  	_ =	shalt  }
0x51: {  	_ =	shalt  }
0x52: {  	_ =	shalt  }
0x53: {  	_ =	shalt  }
0x54: {  	_ =	shalt  }
0x55: {  	_ =	shalt  }
0x56: {  	_ =	shalt  }
0x57: {  	_ =	shalt  }
0x58: {  	_ =	shalt  }
0x59: {  	_ =	shalt  }
0x5a: {  	_ =	shalt  }
0x5b: {  	_ =	shalt  }
0x5c: {  	_ =	shalt  }
0x5d: {  	_ =	shalt  }
0x5e: {  	_ =	shalt  }
0x5f: {  	_ =	shalt  }
0x60: {  	_ =	shalt  }
0x61: {  	_ =	shalt  }
0x62: {  	_ =	shalt  }
0x63: {  	_ =	shalt  }
0x64: {  	_ =	shalt  }
0x65: {  	_ =	shalt  }
0x66: {  	_ =	shalt  }
0x67: {  	_ =	shalt  }
0x68: {  	_ =	shalt  }
0x69: {  	_ =	shalt  }
0x6a: {  	_ =	shalt  }
0x6b: {  	_ =	shalt  }
0x6c: {  	_ =	shalt  }
0x6d: {  	_ =	shalt  }
0x6e: {  	_ =	shalt  }
0x6f: {  	_ =	shalt  }
0x70: {  	_ =	shalt  }
0x71: {  	_ =	shalt  }
0x72: {  	_ =	shalt  }
0x73: {  	_ =	shalt  }
0x74: {  	_ =	shalt  }
0x75: {  	_ =	shalt  }
0x76: {  	_ =	shalt  }
0x77: {  	_ =	shalt  }
0x78: {  	_ =	shalt  }
0x79: {  	_ =	shalt  }
0x7a: {  	_ =	shalt  }
0x7b: {  	_ =	shalt  }
0x7c: {  	_ =	shalt  }
0x7d: {  	_ =	shalt  }
0x7e: {  	_ =	shalt  }
0x7f: {  	_ =	shalt  }
0x80: {  	_ =	shalt  }
0x81: {  	_ =	shalt  }
0x82: {  	_ =	shalt  }
0x83: {  	_ =	shalt  }
0x84: {  	_ =	shalt  }
0x85: {  	_ =	shalt  }
0x86: {  	_ =	shalt  }
0x87: {  	_ =	shalt  }
.Lfunc_end0:
.L_simem_size_0:
called_computation.1_lowered:
.L_overlay_start_0:
0x88: {  	s2 =	sld [smem:$0x3FD9]  }
0x89: {  	s3 =	sld [smem:$0x3FFE];
	_ =	sdelay $0x1  }
0x8a: {  	s1 =	srdreg.scid  }
0x8b: {  	s0 =	sand.u32 $0x1, s1  }
0x8c: {  	s17 =	sshll.u32 s0, $0xA;
	s2 =	sadd.s32 s3, s2  }
0x8d: {  	s2 =	sadd.s32 s2, s17  }
0x8e: {  	[smem:$0x3FC3] =	sst s2  }
0x8f: {  	_ = 	snop  }
0x90: {  	s2 =	sld [smem:$0x3FD0];
	(tm) =	ssettm $0x1  }
0x91: {  	s18 =	sld [smem:$0x3FFB];
	_ =	sdelay $0x3  }
0x92: {  	_ =	strace s18  }
0x93: {  	s3 =	sld [smem:$0x3FFC];
	_ =	sdelay $0x3  }
0x94: {  	_ =	strace s3  }
0x95: {  	s3 =	sld [smem:$0x3FFD];
	_ =	sdelay $0x3  }
0x96: {  	_ =	strace s3  }
0x97: {  	_ =	strace $0x8FFFFFFF  }
0x98: {  	s19 =	sld [smem:$0x3FDB];
	_ =	sdelay $0x1  }
0x99: {  	s4 =	simm.s32 $_scs_section_size  }
0x9a: {  	s5 =	simm.s32 $_size__tile_overlayer_lowered;
	s6 =	simm.s32 $_tile_overlayer_lowered  }
0x9b: {  	s22 =	simm.s32 $0x1BFF;
	s21 =	sshll.u32 s6, $0x1;
	s3 =	sadd.s32 s4, s19  }
0x9c: {  	s7 =	simm.s32 $0x0;
	s20 =	sshll.u32 s5, $0x1;
	s5 =	sadd.s32 s21, s3  }
0x9d: {  	[timem:s7], [sflag:s22] =	dma.local [hbm:s5], s20  }
0x9e: {  	_ =	swait.ge [sflag:s22], s20  }
0x9f: {  	s4 =	ssub.s32 $0x0, s20;
	[sflag:s22] =	ssyncset.done $0x0  }
0xa0: {  	[sflag:s22] =	ssyncadd.s32 s4;
	_ =	sdelay $0x1  }
0xa1: {  	s23 =	simm.s32 $0x1B8B  }
0xa2: {  	_ =	swait.ge [sflag:s23], $0x1  }
0xa3: {  	[sflag:s23] =	ssyncset.done $0x0  }
0xa4: {  	s25 =	simm.s32 $0x1B8E;
	s24 =	sld [smem:$0x3FFE];
	[sflag:s23] =	ssyncadd.s32 $0xFFFFFFFF  }
0xa5: {  	s26 =	simm.s32 $execute0_lowered;
	[smem:$0x3FD2] =	sst s25  }
0xa6: {  	s5 =	sshll.u32 s26, $0x1;
	_ =	strace $0x80000046;
	[dreg:$0x1] =	wrdreg $0xFFFFFFFF  }
0xa7: {  	s28 =	simm.s32 $_size_execute0_lowered;
	s3 =	sadd.s32 s3, s5;
	[dreg:$0x0] =	wrdreg $0x0  }
0xa8: {  	s5 =	sshll.u32 s28, $0x1;
	[dreg:$0x2] =	wrdreg s3  }
0xa9: {  	[dreg:$0x3] =	wrdreg s5  }
0xaa: {  	[dreg:$0x4] =	wrdreg $0xC0  }
0xab: {  	_ =	task [dreg:s7], $0x5FFFF  }
0xac: {  	[dreg:$0x1] =	wrdreg $0xFFFFFFFF  }
0xad: {  	[dreg:$0x0] =	wrdreg $0x60  }
0xae: {  	[dreg:$0x2] =	wrdreg s24  }
0xaf: {  	[dreg:$0x3] =	wrdreg s2  }
0xb0: {  	[dreg:$0x4] =	wrdreg $0x9  }
0xb1: {  	_ =	task.clear_ibuf [dreg:s7], $0x5FFFF;
	_ =	strace $0x90000046  }
0xb2: {  	s29 =	simm.s32 $0x9;
	_ =	strace $0x80000048  }
0xb3: {  	_ =	swait.ge [sflag:s29], $0x1  }
0xb4: {  	[sflag:s29] =	ssyncadd.s32 $0xFFFFFFFF  }
0xb5: {  	_ =	strace $0x90000048  }
0xb6: {  	_ =	sfence  }
0xb7: {  	s30 =	sld [smem:$0x0];
	_ =	sdelay $0x2  }
0xb8: {  	s31 =	sshll.u32 s1, $0xD;
	s1 =	sshrl.u32 s1, $0x2  }
0xb9: {  	s3 =	sand.u32 $0x4000, s31;
	s1 =	sadd.s32 s1, s30  }
0xba: {  	s0 =	sor.u32 s3, s0;
	s1 =	sshll.u32 s1, $0x11  }
0xbb: {  	s0 =	sor.u32 s1, s0  }
0xbc: {  	s0 =	sadd.s32 $0x8F2B, s0  }
0xbd: {  	[sflag:s0] =	ssyncadd.remote.s32 $0x1  }
0xbe: {  	_ =	sfence.sel $0xFFFF  }
0xbf: {  	[dreg:$0x0] =	wrdreg $0xFFFFFFFF;
	(pc) =	sbr.abs _section_cstart, $3  }
0xc0: {  	[dreg:$0x1] =	wrdreg $0xFFFFFFFF  }
0xc1: {  	_ =	task.clear_ibuf [dreg:s7], $0x2FFFF;
	_ =	strace $0x9FFFFFFF  }
0xc2: {  	(tm) =	ssettm $0x7FFFFFFF  }
0xc3: {  	_ =	shalt  }
tec
execute0_lowered:
.L_overlay_start_1:
0x0: {  	(tag) =	ssettag $0x1  }
0x1: {  	s0 =	rddreg [dreg:$0x0];
	s1 =	simm.s32 $0x0  }
0x2: {  	s24 =	srdreg.scid;
	s4 =	stileid.u32;
	s10 =	simm.s32 $0x3  }
0x3: {  	s11 =	simm.s32 $0x320;
	s12 =	simm.s32 $0x50;
	s13 =	simm.s32 $0x640  }
0x4: {  	s18 =	simm.s32 $0x28;
	s28 =	simm.s32 $0x9C40;
	s29 =	simm.s32 $0x578  }
0x5: {  	s30 =	simm.s32 $0x16440;
	s31 =	simm.s32 $0x2A8;
	s9 =	simm.s32 $0x17840  }
0x6: {  	s14 =	simm.s32 $0x618;
	s15 =	simm.s32 $0x18C40;
	s16 =	simm.s32 $0x1  }
0x7: {  	s17 =	simm.s32 $0x2;
	s20 =	simm.s32 $0x0;
	[smem:$0x7FF] =	sst s1  }
0x8: {  	s3 =	sadd.s32 $0x9200, s0;
	s1 =	sand.u32 $0x1, s24;
	s5 =	sadd.s32 $0xE00, s0  }
0x9: {  	s6 =	sadd.s32 $0xF4B600, s0;
	s7 =	sadd.s32 $0x7200, s0;
	s26 =	sshll.u32 s4, $0x6  }
0xa: {  	s24 =	simm.s32 $0x550;
	s4 =	simm.s32 $0x5C8;
	s2 =	ssub.s32 $0x2, s1  }
0xb: {  	_ =	strace $0x80000047;
	s1 =	sshll.u32 s1, $0x5;
	s25 =	sshrl.u32 s2, $0x1  }
0xc: {  	s8 =	sor.u32 s1, s26;
	s26 =	simm.s32 $0x258;
	s0 =	ssub.s32 s2, s25  }
0xd: {  	s1 =	simm.s32 $0x2F8;
	s25 =	simm.s32 $0x15A40;
	s0 =	smax.u32 s0, $0x1  }
0xe: {  	s2 =	simm.s32 $0xC440;
	[dreg:$0x3] =	wrdreg s0;
	s0 =	simm.s32 $0xB040  }
.LBB2_1:
0xf: {  	[dreg:$0x4] =	wrdreg s20;
	s19 =	simm.s32 $0x0  }
.LBB2_2:
0x10: {  	s20 =	sshll.u32 s19, $0x2  }
0x11: {  	s20 =	sadd.s32 s8, s20  }
0x12: {  	s21 =	smul.u32 $0x19, s20;
	_ =	sdelay $0x1  }
0x13: {  	s23 =	simm.s32 $0x0;
	s22 =	sadd.s32 s3, s21  }
0x14: {  	[tilespmem:s23], [sflag:$0x3] =	stream.linear.gather [hbm4b:s22+s23], $0x320, $0x38;
	[tilespmem:$0x19640] =	vst v63  }
0x15: {  	_ =	swait.ge [sflag:s10], $0x320  }
0x16: {  	[sflag:s10] =	ssyncset.done $0x0  }
0x17: {  	s21 =	sadd.s32 s5, s21;
	[sflag:s10] =	ssyncadd.s32 $0xFFFFFCE0  }
0x18: {  	[tilespmem:s11], [sflag:$0x3] =	stream.linear.gather [hbm4b:s21+s23], $0x320, $0x38;
	[tilespmem:$0x19640] =	vst v63  }
0x19: {  	_ =	swait.ge [sflag:s10], $0x320  }
0x1a: {  	[sflag:s10] =	ssyncset.done $0x0  }
0x1b: {  	[sflag:s10] =	ssyncadd.s32 $0xFFFFFCE0  }
0x1c: {  	[tilespmem:s13], [sflag:$0x1] =	stream.indirect.gather [hbm4b:s6+s12], $0x40, s23, s12, $0xb8;
	[tilespmem:$0x19640] =	vst v63  }
0x1d: {  	s22 =	simm.s32 $0xCE40  }
0x1e: {  	[tilespmem:s22], [sflag:$0x2] =	stream.indirect.gather [hbm4b:s7+s12], $0x40, s11, s12, $0xb8;
	[tilespmem:$0x19640] =	vst v63  }
0x1f: {  	s23 =	simm.s32 $0x1A40  }
0x20: {  	[tilespmem:s23], [sflag:$0x1] =	stream.indirect.gather [hbm4b:s6+s12], $0x40, s12, s12, $0xb8;
	[tilespmem:$0x19640] =	vst v63  }
0x21: {  	s22 =	simm.s32 $0x370;
	s23 =	simm.s32 $0xE240  }
0x22: {  	[tilespmem:s23], [sflag:$0x2] =	stream.indirect.gather [hbm4b:s7+s12], $0x40, s22, s12, $0xb8;
	[tilespmem:$0x19640] =	vst v63  }
0x23: {  	s22 =	simm.s32 $0xA0;
	s23 =	simm.s32 $0x2E40  }
0x24: {  	[tilespmem:s23], [sflag:$0x1] =	stream.indirect.gather [hbm4b:s6+s18], $0x40, s22, s18, $0xb8;
	[tilespmem:$0x19640] =	vst v63  }
0x25: {  	s22 =	simm.s32 $0x3C0;
	s23 =	simm.s32 $0xF640  }
0x26: {  	[tilespmem:s23], [sflag:$0x2] =	stream.indirect.gather [hbm4b:s7+s18], $0x40, s22, s18, $0xb8;
	[tilespmem:$0x19640] =	vst v63  }
0x27: {  	s22 =	simm.s32 $0xC8;
	s23 =	simm.s32 $0x3840  }
0x28: {  	[tilespmem:s23], [sflag:$0x1] =	stream.indirect.gather [hbm4b:s6+s12], $0x40, s22, s12, $0xb8;
	[tilespmem:$0x19640] =	vst v63  }
0x29: {  	s22 =	simm.s32 $0x3E8;
	s23 =	simm.s32 $0x10040  }
0x2a: {  	[tilespmem:s23], [sflag:$0x2] =	stream.indirect.gather [hbm4b:s7+s12], $0x40, s22, s12, $0xb8;
	[tilespmem:$0x19640] =	vst v63  }
0x2b: {  	s22 =	simm.s32 $0x118;
	s23 =	simm.s32 $0x4C40  }
0x2c: {  	[tilespmem:s23], [sflag:$0x1] =	stream.indirect.gather [hbm4b:s6+s12], $0x40, s22, s12, $0xb8;
	[tilespmem:$0x19640] =	vst v63  }
0x2d: {  	s22 =	simm.s32 $0x438;
	s23 =	simm.s32 $0x11440  }
0x2e: {  	[tilespmem:s23], [sflag:$0x2] =	stream.indirect.gather [hbm4b:s7+s12], $0x40, s22, s12, $0xb8;
	[tilespmem:$0x19640] =	vst v63  }
0x2f: {  	s22 =	simm.s32 $0x168;
	s23 =	simm.s32 $0x6040  }
0x30: {  	[tilespmem:s23], [sflag:$0x1] =	stream.indirect.gather [hbm4b:s6+s18], $0x40, s22, s18, $0xb8;
	[tilespmem:$0x19640] =	vst v63  }
0x31: {  	s22 =	simm.s32 $0x488;
	s23 =	simm.s32 $0x12840  }
0x32: {  	[tilespmem:s23], [sflag:$0x2] =	stream.indirect.gather [hbm4b:s7+s18], $0x40, s22, s18, $0xb8;
	[tilespmem:$0x19640] =	vst v63  }
0x33: {  	s22 =	simm.s32 $0x190;
	s23 =	simm.s32 $0x6A40  }
0x34: {  	[tilespmem:s23], [sflag:$0x1] =	stream.indirect.gather [hbm4b:s6+s12], $0x40, s22, s12, $0xb8;
	[tilespmem:$0x19640] =	vst v63  }
0x35: {  	s22 =	simm.s32 $0x4B0;
	s23 =	simm.s32 $0x13240  }
0x36: {  	[tilespmem:s23], [sflag:$0x2] =	stream.indirect.gather [hbm4b:s7+s12], $0x40, s22, s12, $0xb8;
	[tilespmem:$0x19640] =	vst v63  }
0x37: {  	s22 =	simm.s32 $0x1E0;
	s23 =	simm.s32 $0x7E40  }
0x38: {  	[tilespmem:s23], [sflag:$0x1] =	stream.indirect.gather [hbm4b:s6+s12], $0x40, s22, s12, $0xb8;
	[tilespmem:$0x19640] =	vst v63  }
0x39: {  	s22 =	simm.s32 $0x500;
	s23 =	simm.s32 $0x14640  }
0x3a: {  	[tilespmem:s23], [sflag:$0x2] =	stream.indirect.gather [hbm4b:s7+s12], $0x40, s22, s12, $0xb8;
	[tilespmem:$0x19640] =	vst v63  }
0x3b: {  	s22 =	simm.s32 $0x230;
	s23 =	simm.s32 $0x9240  }
0x3c: {  	[tilespmem:s23], [sflag:$0x1] =	stream.indirect.gather [hbm4b:s6+s18], $0x40, s22, s18, $0xb8;
	[tilespmem:$0x19640] =	vst v63  }
0x3d: {  	_ = 	snop  }
0x3e: {  	[tilespmem:s25], [sflag:$0x2] =	stream.indirect.gather [hbm4b:s7+s18], $0x40, s24, s18, $0xb8;
	[tilespmem:$0x19640] =	vst v63  }
0x3f: {  	_ = 	snop  }
0x40: {  	[tilespmem:s28], [sflag:$0x1] =	stream.indirect.gather [hbm4b:s6+s12], $0x40, s26, s12, $0xb8;
	[tilespmem:$0x19640] =	vst v63  }
0x41: {  	_ = 	snop  }
0x42: {  	[tilespmem:s30], [sflag:$0x2] =	stream.indirect.gather [hbm4b:s7+s12], $0x40, s29, s12, $0xb8;
	[tilespmem:$0x19640] =	vst v63  }
0x43: {  	_ = 	snop  }
0x44: {  	[tilespmem:s0], [sflag:$0x1] =	stream.indirect.gather [hbm4b:s6+s12], $0x40, s31, s12, $0xb8;
	[tilespmem:$0x19640] =	vst v63  }
0x45: {  	_ = 	snop  }
0x46: {  	[tilespmem:s9], [sflag:$0x2] =	stream.indirect.gather [hbm4b:s7+s12], $0x40, s4, s12, $0xb8;
	[tilespmem:$0x19640] =	vst v63  }
0x47: {  	_ = 	snop  }
0x48: {  	[tilespmem:s2], [sflag:$0x1] =	stream.indirect.gather [hbm4b:s6+s18], $0x40, s1, s18, $0xb8;
	[tilespmem:$0x19640] =	vst v63  }
0x49: {  	_ = 	snop  }
0x4a: {  	[tilespmem:s15], [sflag:$0x2] =	stream.indirect.gather [hbm4b:s7+s18], $0x40, s14, s18, $0xb8;
	[tilespmem:$0x19640] =	vst v63  }
0x4b: {  	_ =	swait.ge [sflag:s16], $0x1400  }
0x4c: {  	[sflag:s16] =	ssyncset.done $0x0  }
0x4d: {  	[sflag:s16] =	ssyncadd.s32 $0xFFFFEC00  }
0x4e: {  	_ =	swait.ge [sflag:s17], $0x1400  }
0x4f: {  	[sflag:s17] =	ssyncset.done $0x0  }
0x50: {  	[sflag:s17] =	ssyncadd.s32 $0xFFFFEC00  }
0x51: {  	_ =	swait.ge [sflag:s16], $0x1400  }
0x52: {  	[sflag:s16] =	ssyncset.done $0x0  }
0x53: {  	[sflag:s16] =	ssyncadd.s32 $0xFFFFEC00  }
0x54: {  	_ =	swait.ge [sflag:s17], $0x1400  }
0x55: {  	[sflag:s17] =	ssyncset.done $0x0  }
0x56: {  	[sflag:s17] =	ssyncadd.s32 $0xFFFFEC00  }
0x57: {  	_ =	swait.ge [sflag:s16], $0xA00  }
0x58: {  	[sflag:s16] =	ssyncset.done $0x0  }
0x59: {  	[sflag:s16] =	ssyncadd.s32 $0xFFFFF600  }
0x5a: {  	_ =	swait.ge [sflag:s17], $0xA00  }
0x5b: {  	[sflag:s17] =	ssyncset.done $0x0  }
0x5c: {  	[sflag:s17] =	ssyncadd.s32 $0xFFFFF600  }
0x5d: {  	_ =	swait.ge [sflag:s16], $0x1400  }
0x5e: {  	[sflag:s16] =	ssyncset.done $0x0  }
0x5f: {  	[sflag:s16] =	ssyncadd.s32 $0xFFFFEC00  }
0x60: {  	_ =	swait.ge [sflag:s17], $0x1400  }
0x61: {  	[sflag:s17] =	ssyncset.done $0x0  }
0x62: {  	[sflag:s17] =	ssyncadd.s32 $0xFFFFEC00  }
0x63: {  	_ =	swait.ge [sflag:s16], $0x1400  }
0x64: {  	[sflag:s16] =	ssyncset.done $0x0  }
0x65: {  	[sflag:s16] =	ssyncadd.s32 $0xFFFFEC00  }
0x66: {  	_ =	swait.ge [sflag:s17], $0x1400  }
0x67: {  	[sflag:s17] =	ssyncset.done $0x0  }
0x68: {  	[sflag:s17] =	ssyncadd.s32 $0xFFFFEC00  }
0x69: {  	_ =	swait.ge [sflag:s16], $0xA00  }
0x6a: {  	[sflag:s16] =	ssyncset.done $0x0  }
0x6b: {  	[sflag:s16] =	ssyncadd.s32 $0xFFFFF600  }
0x6c: {  	_ =	swait.ge [sflag:s17], $0xA00  }
0x6d: {  	[sflag:s17] =	ssyncset.done $0x0  }
0x6e: {  	[sflag:s17] =	ssyncadd.s32 $0xFFFFF600  }
0x6f: {  	_ =	swait.ge [sflag:s16], $0x1400  }
0x70: {  	[sflag:s16] =	ssyncset.done $0x0  }
0x71: {  	[sflag:s16] =	ssyncadd.s32 $0xFFFFEC00  }
0x72: {  	_ =	swait.ge [sflag:s17], $0x1400  }
0x73: {  	[sflag:s17] =	ssyncset.done $0x0  }
0x74: {  	[sflag:s17] =	ssyncadd.s32 $0xFFFFEC00  }
0x75: {  	_ =	swait.ge [sflag:s16], $0x1400  }
0x76: {  	[sflag:s16] =	ssyncset.done $0x0  }
0x77: {  	[sflag:s16] =	ssyncadd.s32 $0xFFFFEC00  }
0x78: {  	_ =	swait.ge [sflag:s17], $0x1400  }
0x79: {  	[sflag:s17] =	ssyncset.done $0x0  }
0x7a: {  	[sflag:s17] =	ssyncadd.s32 $0xFFFFEC00  }
0x7b: {  	_ =	swait.ge [sflag:s16], $0xA00  }
0x7c: {  	[sflag:s16] =	ssyncset.done $0x0  }
0x7d: {  	[sflag:s16] =	ssyncadd.s32 $0xFFFFF600  }
0x7e: {  	_ =	swait.ge [sflag:s17], $0xA00  }
0x7f: {  	[sflag:s17] =	ssyncset.done $0x0  }
0x80: {  	[sflag:s17] =	ssyncadd.s32 $0xFFFFF600  }
0x81: {  	_ =	swait.ge [sflag:s16], $0x1400  }
0x82: {  	[sflag:s16] =	ssyncset.done $0x0  }
0x83: {  	[sflag:s16] =	ssyncadd.s32 $0xFFFFEC00  }
0x84: {  	_ =	swait.ge [sflag:s17], $0x1400  }
0x85: {  	[sflag:s17] =	ssyncset.done $0x0  }
0x86: {  	[sflag:s17] =	ssyncadd.s32 $0xFFFFEC00  }
0x87: {  	_ =	swait.ge [sflag:s16], $0x1400  }
0x88: {  	[sflag:s16] =	ssyncset.done $0x0  }
0x89: {  	[sflag:s16] =	ssyncadd.s32 $0xFFFFEC00  }
0x8a: {  	_ =	swait.ge [sflag:s17], $0x1400  }
0x8b: {  	[sflag:s17] =	ssyncset.done $0x0  }
0x8c: {  	[sflag:s17] =	ssyncadd.s32 $0xFFFFEC00  }
0x8d: {  	_ =	swait.ge [sflag:s16], $0xA00  }
0x8e: {  	[sflag:s16] =	ssyncset.done $0x0  }
0x8f: {  	[sflag:s16] =	ssyncadd.s32 $0xFFFFF600  }
0x90: {  	_ =	swait.ge [sflag:s17], $0xA00  }
0x91: {  	[sflag:s17] =	ssyncset.done $0x0  }
0x92: {  	s21 =	simm.s32 $0x0;
	[sflag:s17] =	ssyncadd.s32 $0xFFFFF600  }
0x93: {  	v6 =	vld [tilespmem:s21+$0xCE40]  }
0x94: {  	v7 =	vld [tilespmem:s21+$0xCE50]  }
0x95: {  	v8 =	vld [tilespmem:s21+$0xCE60]  }
0x96: {  	v9 =	vld [tilespmem:s21+$0xCE70]  }
0x97: {  	v10 =	vld [tilespmem:s21+$0x10040]  }
0x98: {  	v11 =	vld [tilespmem:s21+$0x10050]  }
0x99: {  	v12 =	vld [tilespmem:s21+$0x10060]  }
0x9a: {  	v13 =	vld [tilespmem:s21+$0x10070]  }
0x9b: {  	v14 =	vld [tilespmem:s21+$0x13240]  }
0x9c: {  	v15 =	vld [tilespmem:s21+$0x13250]  }
0x9d: {  	v5 =	vld [tilespmem:s21+$0x13260]  }
0x9e: {  	v4 =	vld [tilespmem:s21+$0x13270]  }
0x9f: {  	v3 =	vld [tilespmem:s21+$0x16440]  }
0xa0: {  	v2 =	vld [tilespmem:s21+$0x16450]  }
0xa1: {  	v1 =	vld [tilespmem:s21+$0x16460]  }
0xa2: {  	v0 =	vld [tilespmem:s21+$0x16470]  }
0xa3: {  	v16 =	vld [tilespmem:s21+$0x640]  }
0xa4: {  	v17 =	vld [tilespmem:s21+$0x650]  }
0xa5: {  	v18 =	vld [tilespmem:s21+$0x660]  }
0xa6: {  	v19 =	vld [tilespmem:s21+$0x670]  }
0xa7: {  	v20 =	vld [tilespmem:s21+$0x3840]  }
0xa8: {  	v60 =	vld [tilespmem:s21+$0x3850];
	v6 =	vadd.f32 v6, v16  }
0xa9: {  	v21 =	vld [tilespmem:s21+$0x3860];
	v7 =	vadd.f32 v7, v17  }
0xaa: {  	v61 =	vld [tilespmem:s21+$0x3870];
	[tilespmem:s21+$0x640] =	vst v6;
	v6 =	vadd.f32 v8, v18  }
0xab: {  	v62 =	vld [tilespmem:s21+$0x6A40];
	[tilespmem:s21+$0x650] =	vst v7;
	v7 =	vadd.f32 v9, v19  }
0xac: {  	v63 =	vld [tilespmem:s21+$0x6A50];
	[tilespmem:s21+$0x660] =	vst v6;
	v6 =	vadd.f32 v10, v20  }
0xad: {  	v8 =	vadd.f32 v11, v60;
	[tilespmem:s21+$0x670] =	vst v7;
	v7 =	vld [tilespmem:s21+$0x6A60]  }
0xae: {  	v9 =	vadd.f32 v12, v21;
	[tilespmem:s21+$0x3840] =	vst v6;
	v6 =	vld [tilespmem:s21+$0x6A70]  }
0xaf: {  	[tilespmem:s21+$0x3850] =	vst v8;
	v8 =	vld [tilespmem:s21+$0x9C40];
	v10 =	vadd.f32 v13, v61  }
0xb0: {  	v12 =	vadd.f32 v14, v62;
	[tilespmem:s21+$0x3860] =	vst v9;
	v9 =	vld [tilespmem:s21+$0x9C50]  }
0xb1: {  	s22 =	simm.s32 $0x100;
	v11 =	vadd.f32 v15, v63;
	[tilespmem:s21+$0x3870] =	vst v10;
	v10 =	vld [tilespmem:s21+$0x9C60]  }
.LBB2_3:
0xb2: {  	s23 =	sshra.s32 s22, $0x2;
	p0 =	sne.s32 s22, $0xC700;
	[tilespmem:s21+$0x6A40] =	vst v12;
	v5 =	vadd.f32 v5, v7;
	v7 =	vld [tilespmem:s21+$0x9C70]  }
0xb3: {  	v12 =	vld [tilespmem:s23+$0xCE40];
	[tilespmem:s21+$0x6A50] =	vst v11;
	v4 =	vadd.f32 v4, v6  }
0xb4: {  	v6 =	vld [tilespmem:s23+$0xCE50];
	[tilespmem:s21+$0x6A60] =	vst v5;
	v3 =	vadd.f32 v3, v8  }
0xb5: {  	v8 =	vld [tilespmem:s23+$0xCE60];
	[tilespmem:s21+$0x6A70] =	vst v4;
	v2 =	vadd.f32 v2, v9  }
0xb6: {  	v9 =	vld [tilespmem:s23+$0xCE70];
	[tilespmem:s21+$0x9C40] =	vst v3;
	v1 =	vadd.f32 v1, v10  }
0xb7: {  	v10 =	vld [tilespmem:s23+$0x10040];
	[tilespmem:s21+$0x9C50] =	vst v2;
	v0 =	vadd.f32 v0, v7  }
0xb8: {  	v7 =	vld [tilespmem:s23+$0x10050];
	[tilespmem:s21+$0x9C60] =	vst v1  }
0xb9: {  	v11 =	vld [tilespmem:s23+$0x10060];
	[tilespmem:s21+$0x9C70] =	vst v0;
	s21 =	smov.u32 s23  }
0xba: {  	v13 =	vld [tilespmem:s21+$0x10070]  }
0xbb: {  	v14 =	vld [tilespmem:s21+$0x13240]  }
0xbc: {  	v15 =	vld [tilespmem:s21+$0x13250]  }
0xbd: {  	v5 =	vld [tilespmem:s21+$0x13260]  }
0xbe: {  	v4 =	vld [tilespmem:s21+$0x13270]  }
0xbf: {  	v3 =	vld [tilespmem:s21+$0x16440]  }
0xc0: {  	v2 =	vld [tilespmem:s21+$0x16450]  }
0xc1: {  	v1 =	vld [tilespmem:s21+$0x16460]  }
0xc2: {  	v0 =	vld [tilespmem:s21+$0x16470]  }
0xc3: {  	v16 =	vld [tilespmem:s21+$0x640]  }
0xc4: {  	v17 =	vld [tilespmem:s21+$0x650]  }
0xc5: {  	v18 =	vld [tilespmem:s21+$0x660]  }
0xc6: {  	v19 =	vld [tilespmem:s21+$0x670]  }
0xc7: {  	v20 =	vld [tilespmem:s21+$0x3840]  }
0xc8: {  	v12 =	vadd.f32 v12, v16;
	v16 =	vld [tilespmem:s21+$0x3850]  }
0xc9: {  	v6 =	vadd.f32 v6, v17;
	v17 =	vld [tilespmem:s21+$0x3860]  }
0xca: {  	[tilespmem:s21+$0x640] =	vst v12;
	v8 =	vadd.f32 v8, v18;
	v12 =	vld [tilespmem:s21+$0x3870]  }
0xcb: {  	[tilespmem:s21+$0x650] =	vst v6;
	v6 =	vadd.f32 v9, v19;
	v9 =	vld [tilespmem:s21+$0x6A40]  }
0xcc: {  	[tilespmem:s21+$0x660] =	vst v8;
	v8 =	vadd.f32 v10, v20;
	v10 =	vld [tilespmem:s21+$0x6A50]  }
.Ltmp0:
0xcd: {  	[tilespmem:s21+$0x670] =	vst v6;
	v16 =	vadd.f32 v7, v16;
	v7 =	vld [tilespmem:s21+$0x6A60];
	(pc) =	sbr.rel @p0 .LBB2_3-.Ltmp0, $4  }
0xce: {  	[tilespmem:s21+$0x3840] =	vst v8;
	v11 =	vadd.f32 v11, v17;
	v6 =	vld [tilespmem:s21+$0x6A70]  }
0xcf: {  	[tilespmem:s21+$0x3850] =	vst v16;
	v13 =	vadd.f32 v13, v12;
	v8 =	vld [tilespmem:s21+$0x9C40]  }
0xd0: {  	[tilespmem:s21+$0x3860] =	vst v11;
	v12 =	vadd.f32 v14, v9;
	v9 =	vld [tilespmem:s21+$0x9C50]  }
0xd1: {  	s22 =	sadd.s32 $0x100, s22;
	[tilespmem:s21+$0x3870] =	vst v13;
	v11 =	vadd.f32 v15, v10;
	v10 =	vld [tilespmem:s21+$0x9C60]  }
0xd2: {  	[tilespmem:s21+$0x6A40] =	vst v12;
	v5 =	vadd.f32 v5, v7;
	v63 =	vld [tilespmem:s21+$0x9C70]  }
0xd3: {  	[tilespmem:s21+$0x6A50] =	vst v11;
	v4 =	vadd.f32 v4, v6  }
0xd4: {  	[tilespmem:s21+$0x6A60] =	vst v5;
	v3 =	vadd.f32 v3, v8  }
0xd5: {  	[tilespmem:s21+$0x6A70] =	vst v4;
	v2 =	vadd.f32 v2, v9  }
0xd6: {  	[tilespmem:s21+$0x9C40] =	vst v3;
	v1 =	vadd.f32 v1, v10  }
0xd7: {  	s20 =	smul.u32 $0x640, s20;
	s19 =	sadd.s32 $0x1, s19;
	[tilespmem:s21+$0x9C50] =	vst v2;
	v0 =	vadd.f32 v0, v63  }
0xd8: {  	s22 =	rddreg [dreg:$0x1];
	p0 =	sne.s32 s19, $0x8;
	[tilespmem:s21+$0x9C60] =	vst v1  }
.Ltmp1:
0xd9: {  	s23 =	simm.s32 $0x0;
	s20 =	sadd.s32 s22, s20;
	[tilespmem:s21+$0x9C70] =	vst v0;
	(pc) =	sbr.rel @p0 .LBB2_2-.Ltmp1, $4  }
0xda: {  	[hbm4b:s20+s23] =	stream.linear.scatter [tilespmem:s13], [sflag:$0x3], $0xC800, $0x38;
	[tilespmem:$0x19640] =	vst v63  }
0xdb: {  	_ =	swait.ge [sflag:s10], $0xC800  }
0xdc: {  	[sflag:s10] =	ssyncset.done $0x0  }
0xdd: {  	[sflag:s10] =	ssyncadd.s32 $0xFFFF3800  }
0xde: {  	s20 =	rddreg [dreg:$0x4]  }
0xdf: {  	s19 =	rddreg [dreg:$0x3];
	s20 =	sadd.s32 $0x1, s20  }
0xe0: {  	p0 =	sne.s32 s20, s19  }
.Ltmp2:
0xe1: {  	_ = 	snop;
	(pc) =	sbr.rel @p0 .LBB2_1-.Ltmp2, $1  }
0xe2: {  	_ =	sdelay $0x3  }
0xe3: {  	_ =	sfence.sel $0x180000  }
0xe4: {  	[bflag:$0x0] =	sbarrier.arrive $0xFFFF  }
0xe5: {  	_ =	strace $0x90000047  }
0xe6: {  	s0 =	stileid.u32;
	[bflag:$0x2] =	sbarrier.arrive $0xFFFF  }
0xe7: {  	p0 =	sne.s32 s0, $0x0;
	s0 =	rddreg [dreg:$0x2]  }
0xe8: {  	s0 =	sadd.s32 @!p0 $0x100000, s0  }
0xe9: {  	[sflag:s0] =	ssyncadd.tile.s32 @!p0 $0x1;
	_ =	shalt  }
.Lfunc_end2:
_tile_overlayer_lowered:
.L_overlay_start_2:
0xea: {  	(tag) =	ssettag $0x2  }
0xeb: {  	s0 =	rddreg [dreg:$0x0];
	s2 =	stileid.u32  }
0xec: {  	s1 =	rddreg [dreg:$0x1];
	p0 =	sne.s32 s2, $0x0  }
0xed: {  	s3 =	rddreg [dreg:$0x2];
	[bflag:$0x3] =	sbarrier.arrive $0xFFFF;
	s2 =	simm.s32 @!p0 $0x1C03  }
0xee: {  	[timem:s3], [sflag:s2] =	dma.local @!p0 [hbm:s0], s1  }
0xef: {  	s0 =	simm.s32 @!p0 $0x3  }
0xf0: {  	_ =	swait.ge @!p0 [sflag:s0], s1  }
0xf1: {  	s1 =	ssub.s32 @!p0 $0x0, s1;
	[sflag:s0] =	ssyncset.done @!p0 $0x0  }
0xf2: {  	[sflag:s0] =	ssyncadd.s32 @!p0 s1  }
0xf3: {  	[bflag:$0x3] =	sbarrier.arrive $0xFFFF  }
0xf4: {  	_ =	shalt  }

// kernel: sparse-core-data-format-call.cloned.1.call-start
scs
called_computation_lowered:
.L_overlay_start_0:
0x0: {  	s2 =	sld [smem:$0x3FD9]  }
0x1: {  	s3 =	sld [smem:$0x3FFE];
	_ =	sdelay $0x1  }
0x2: {  	s1 =	srdreg.scid  }
0x3: {  	s0 =	sand.u32 $0x1, s1  }
0x4: {  	s18 =	sshll.u32 s0, $0xA;
	s2 =	sadd.s32 s3, s2  }
0x5: {  	s2 =	sadd.s32 s2, s18  }
0x6: {  	[smem:$0x3FC3] =	sst s2  }
0x7: {  	_ = 	snop  }
0x8: {  	s2 =	sld [smem:$0x3FD0];
	(tm) =	ssettm $0x1  }
0x9: {  	s19 =	sld [smem:$0x3FFB];
	_ =	sdelay $0x3  }
0xa: {  	_ =	strace s19  }
0xb: {  	s3 =	sld [smem:$0x3FFC];
	_ =	sdelay $0x3  }
0xc: {  	_ =	strace s3  }
0xd: {  	s3 =	sld [smem:$0x3FFD];
	_ =	sdelay $0x3  }
0xe: {  	_ =	strace s3  }
0xf: {  	_ =	strace $0x8FFFFFFF  }
0x10: {  	s20 =	sld [smem:$0x3FDB];
	_ =	sdelay $0x1  }
0x11: {  	s4 =	simm.s32 $_scs_section_size  }
0x12: {  	s5 =	simm.s32 $_size__tile_overlayer_lowered;
	s6 =	simm.s32 $_tile_overlayer_lowered  }
0x13: {  	s23 =	simm.s32 $0x1BFF;
	s22 =	sshll.u32 s6, $0x1;
	s3 =	sadd.s32 s4, s20  }
0x14: {  	s7 =	simm.s32 $0x0;
	s21 =	sshll.u32 s5, $0x1;
	s5 =	sadd.s32 s22, s3  }
0x15: {  	[timem:s7], [sflag:s23] =	dma.local [hbm:s5], s21  }
0x16: {  	_ =	swait.ge [sflag:s23], s21  }
0x17: {  	s4 =	ssub.s32 $0x0, s21;
	[sflag:s23] =	ssyncset.done $0x0  }
0x18: {  	[sflag:s23] =	ssyncadd.s32 s4;
	_ =	sdelay $0x1  }
0x19: {  	s24 =	simm.s32 $0x1B8B  }
0x1a: {  	_ =	swait.ge [sflag:s24], $0x1  }
0x1b: {  	[sflag:s24] =	ssyncset.done $0x0  }
0x1c: {  	s26 =	simm.s32 $0x1B8E;
	s25 =	sld [smem:$0x3FFE];
	[sflag:s24] =	ssyncadd.s32 $0xFFFFFFFF  }
0x1d: {  	s27 =	simm.s32 $execute0_lowered;
	[smem:$0x3FD2] =	sst s26  }
0x1e: {  	s5 =	sshll.u32 s27, $0x1;
	_ =	strace $0x80000049;
	[dreg:$0x1] =	wrdreg $0xFFFFFFFF  }
0x1f: {  	s28 =	simm.s32 $_size_execute0_lowered;
	s3 =	sadd.s32 s3, s5;
	[dreg:$0x0] =	wrdreg $0x0  }
0x20: {  	s5 =	sshll.u32 s28, $0x1;
	[dreg:$0x2] =	wrdreg s3  }
0x21: {  	[dreg:$0x3] =	wrdreg s5  }
0x22: {  	[dreg:$0x4] =	wrdreg $0xC0  }
0x23: {  	_ =	task [dreg:s7], $0x5FFFF  }
0x24: {  	[dreg:$0x1] =	wrdreg $0xFFFFFFFF  }
0x25: {  	[dreg:$0x0] =	wrdreg $0x60  }
0x26: {  	[dreg:$0x2] =	wrdreg s25  }
0x27: {  	[dreg:$0x3] =	wrdreg s2  }
0x28: {  	[dreg:$0x4] =	wrdreg $0x9  }
0x29: {  	_ =	task.clear_ibuf [dreg:s7], $0x5FFFF;
	_ =	strace $0x90000049  }
0x2a: {  	s29 =	simm.s32 $0x9;
	_ =	strace $0x8000004B  }
0x2b: {  	_ =	swait.ge [sflag:s29], $0x1  }
0x2c: {  	[sflag:s29] =	ssyncadd.s32 $0xFFFFFFFF  }
0x2d: {  	_ =	strace $0x9000004B  }
0x2e: {  	_ =	sfence  }
0x2f: {  	s30 =	sld [smem:$0x0];
	_ =	sdelay $0x2  }
0x30: {  	s31 =	sshll.u32 s1, $0xD;
	s1 =	sshrl.u32 s1, $0x2  }
0x31: {  	s3 =	sand.u32 $0x4000, s31;
	s1 =	sadd.s32 s1, s30  }
0x32: {  	s0 =	sor.u32 s3, s0;
	s1 =	sshll.u32 s1, $0x11  }
0x33: {  	s0 =	sor.u32 s1, s0  }
0x34: {  	s0 =	sadd.s32 $0x8F2B, s0  }
0x35: {  	[sflag:s0] =	ssyncadd.remote.s32 $0x1  }
0x36: {  	_ =	sfence.sel $0xFFFF  }
0x37: {  	[dreg:$0x0] =	wrdreg $0xFFFFFFFF;
	(pc) =	sbr.abs _section_cstart, $3  }
0x38: {  	[dreg:$0x1] =	wrdreg $0xFFFFFFFF  }
0x39: {  	_ =	task.clear_ibuf [dreg:s7], $0x2FFFF;
	_ =	strace $0x9FFFFFFF  }
0x3a: {  	(tm) =	ssettm $0x7FFFFFFF  }
0x3b: {  	_ =	shalt  }
tec
execute0_lowered:
.L_overlay_start_1:
0x0: {  	(tag) =	ssettag $0x1  }
0x1: {  	s0 =	stileid.u32;
	s6 =	rddreg [dreg:$0x0]  }
0x2: {  	s2 =	rddreg [dreg:$0x1];
	s5 =	srdreg.scid  }
0x3: {  	s31 =	simm.s32 $0x2;
	s13 =	simm.s32 $0x0;
	s1 =	sshll.u32 s0, $0x7  }
0x4: {  	s14 =	simm.s32 $0x0;
	s12 =	simm.s32 $0x0;
	s3 =	sand.u32 $0x380, s1  }
0x5: {  	s5 =	sshll.u32 s5, $0x4;
	s6 =	sadd.s32 $0xE00, s6;
	s4 =	ssub.s32 $0x400, s3  }
0x6: {  	s1 =	rddreg [dreg:$0x2];
	_ =	strace $0x8000004A;
	s7 =	sand.u32 $0x380, s4  }
0x7: {  	s5 =	sand.u32 $0x10, s5;
	p0 =	sne.s32 s7, $0x0;
	s7 =	simm.s32 $0x1  }
.Ltmp0:
0x8: {  	s8 =	sshrl.u32 s4, $0xA;
	s7 =	simm.s32 @!p0 $0x0;
	(pc) =	sbr.rel .LBB1_1-.Ltmp0, $4  }
0x9: {  	s9 =	sor.u32 s0, s5;
	s4 =	simm.s32 $0x1;
	s30 =	sadd.s32 s7, s8  }
0xa: {  	s11 =	smov.u32 s3;
	[sflag:s4] =	ssyncpa.u1 $0x0;
	s5 =	smul.u32 $0x32, s30  }
0xb: {  	[sflag:s31] =	ssyncpa.u1 $0x0;
	p0 =	por $0x0, $0x0;
	s7 =	sshrl.u32 s9, $0x3  }
0xc: {  	s9 =	simm.s32 $0x2000;
	s10 =	smov.u32 s7;
	s8 =	sor.u32 $0x1, s5  }
.LBB1_4:
0xd: {  	s17 =	sand.u32 $0x1F80, s14;
	s13 =	sshll.u32 s13, $0xD  }
0xe: {  	[tilespmem:s16+$0x810 ss:$0x81] =	vst.msk $0xffff, v2;
	s18 =	sshrl.u32 s14, $0x3;
	s31 =	sand.u32 $0x7, s14;
	s17 =	sadd.s32 s2, s17  }
0xf: {  	[tilespmem:s16+$0x1020 ss:$0x81] =	vst.msk $0xffff, v0;
	s18 =	sand.u32 $0xF, s18;
	s14 =	sshll.u32 s31, $0x12;
	s13 =	sadd.s32 s13, s17  }
0x10: {  	[tilespmem:s16+$0x0 ss:$0x81] =	vst.msk $0xffff, v1;
	s14 =	sor.u32 $0x400, s14;
	s13 =	sadd.s32 s18, s13  }
0x11: {  	[hbm4b:s13+s14] =	stream.strided.scatter [tilespmem:s15], [sflag:$0x2], $0x2000, s9, s14, $0x20;
	[tilespmem:$0x8080] =	vst v63  }
.LBB1_5:
0x12: {  	s15 =	sadd.s32 $0x4, s10  }
0x13: {  	s13 =	sadd.s32 $0x400, s11;
	s17 =	smov.u32 s11;
	p2 =	sgt.s32 s15, $0xC7  }
0x14: {  	s17 =	smov.u32 @p2 s13  }
0x15: {  	s15 =	smov.u32 @p2 s7;
	p2 =	sgt.s32 s17, $0x3FF  }
0x16: {  	s17 =	smov.u32 @p2 s3;
	p2 =	sne.s32 s12, s8  }
.Ltmp1:
0x17: {  	p1 =	slt.u32 s12, $0x2;
	(pc) =	sbr.rel @!p2 .LBB1_6-.Ltmp1, $4  }
0x18: {  	s16 =	simm.s32 @!p1 $0x2  }
0x19: {  	s14 =	smov.u32 s11;
	p0 =	por !p0, !p0;
	_ =	swait.ge @!p1 [sflag:s16], $0x2000  }
0x1a: {  	s13 =	smov.u32 s10;
	[sflag:s16] =	ssyncset.done @!p1 $0x0;
	s10 =	smov.u32 s15  }
0x1b: {  	s12 =	sadd.s32 $0x1, s12;
	[sflag:s16] =	ssyncadd.s32 @!p1 $0xFFFFE000;
	s11 =	smov.u32 s17  }
.LBB1_1:
0x1c: {  	p1 =	sge.u32 s12, s5  }
0x1d: {  	s15 =	sand.u32 @!p1 $0x1FFFFFF, s10  }
0x1e: {  	s16 =	smulhi.u32 @!p1 $0x147AE15, s15;
	_ =	sdelay $0x1  }
0x1f: {  	s16 =	smul.u32 @!p1 $0xC8, s16  }
0x20: {  	s17 =	sxor.u32 @!p1 $0xFFFFFFFF, s12;
	s18 =	smul.u32 @!p1 $0xC80, s11  }
0x21: {  	s31 =	sadd.s32 $0xFFFFFFFF, s12;
	s17 =	sshll.u32 @!p1 s17, $0xD;
	s15 =	ssub.s32 @!p1 s15, s16  }
0x22: {  	s16 =	sand.u32 @!p1 $0x2000, s17;
	s17 =	sadd.s32 @!p1 s6, s18;
	s15 =	sshll.u32 @!p1 s15, $0x4  }
0x23: {  	s18 =	simm.s32 @!p1 $0x6400;
	s15 =	sadd.s32 @!p1 s15, s17;
	s17 =	simm.s32 @!p1 $0x40  }
0x24: {  	[tilespmem:s16], [sflag:$0x1] =	stream.strided.gather @!p1 [hbm4b:s15+s17], $0x2000, s18, s17, $0x38;
	[tilespmem:$0x8080] =	vst v63  }
0x25: {  	p1 =	sge.u32 s31, s5  }
.Ltmp2:
0x26: {  	_ = 	snop;
	(pc) =	sbr.rel @p1 .LBB1_5-.Ltmp2, $1  }
0x27: {  	_ =	sdelay $0x3  }
0x28: {  	s15 =	simm.s32 $0x1  }
0x29: {  	_ =	swait.ge [sflag:s4], $0x2000;
	s15 =	simm.s32 @!p0 $0x0  }
0x2a: {  	[sflag:s4] =	ssyncset.done $0x0;
	s16 =	sshll.u32 s15, $0xD  }
0x2b: {  	[sflag:s4] =	ssyncadd.s32 $0xFFFFE000;
	s19 =	sor.u32 $0x20, s16  }
0x2c: {  	s15 =	smul.u32 $0x8100, s15;
	v3 =	vld [tilespmem:s19+$0x10]  }
0x2d: {  	s30 =	sand.u32 $0x1, s12;
	v2 =	vld [tilespmem:s19+$0xFFFFFFF0]  }
0x2e: {  	s16 =	smul.u32 $0x8100, s30;
	s15 =	sshrl.u32 s15, $0x2;
	v0 =	vld [tilespmem:s19+$0x0]  }
0x2f: {  	v1 =	vld [tilespmem:s19+$0xFFFFFFE0];
	s17 =	sor.u32 $0x4000, s15  }
0x30: {  	s31 =	sshrl.u32 s16, $0x2;
	s16 =	sadd.s32 $0x0, s17  }
0x31: {  	s18 =	simm.s32 $0x4;
	s19 =	sadd.s32 $0x40, s19;
	s15 =	sor.u32 $0x4000, s31;
	[tilespmem:s16+$0x1830 ss:$0x81] =	vst.msk $0xffff, v3  }
.LBB1_3:
0x32: {  	v3 =	vld [tilespmem:s19+$0x10];
	p1 =	sne.s32 s18, $0x1FC;
	[tilespmem:s16+$0x810 ss:$0x81] =	vst.msk $0xffff, v2;
	s20 =	smov.u32 s18;
	s18 =	sadd.s32 $0x4, s18  }
.Ltmp3:
0x33: {  	v2 =	vld [tilespmem:s19+$0xFFFFFFF0];
	[tilespmem:s16+$0x1020 ss:$0x81] =	vst.msk $0xffff, v0;
	(pc) =	sbr.rel @p1 .LBB1_3-.Ltmp3, $4  }
0x34: {  	v0 =	vld [tilespmem:s19+$0x0];
	[tilespmem:s16+$0x0 ss:$0x81] =	vst.msk $0xffff, v1  }
0x35: {  	s16 =	sshra.s32 s20, $0x2;
	v1 =	vld [tilespmem:s19+$0xFFFFFFE0]  }
0x36: {  	s16 =	sadd.s32 s16, s17  }
0x37: {  	s19 =	sadd.s32 $0x40, s19;
	[tilespmem:s16+$0x1830 ss:$0x81] =	vst.msk $0xffff, v3  }
.Ltmp4:
0x38: {  	_ = 	snop;
	(pc) =	sbr.rel .LBB1_4-.Ltmp4, $1  }
0x39: {  	_ =	sdelay $0x3  }
.LBB1_6:
0x3a: {  	_ =	sfence.sel $0x180000  }
0x3b: {  	s2 =	simm.s32 $0x1;
	[bflag:$0x0] =	sbarrier.arrive $0xFFFF  }
0x3c: {  	s31 =	simm.s32 $0x2;
	[sflag:s2] =	ssyncpa.u1 $0x1  }
0x3d: {  	[sflag:s31] =	ssyncpa.u1 $0x1  }
0x3e: {  	p0 =	sne.s32 s0, $0x0;
	_ =	strace $0x9000004A  }
0x3f: {  	s0 =	sadd.s32 @!p0 $0x100000, s1;
	[bflag:$0x2] =	sbarrier.arrive $0xFFFF  }
0x40: {  	[sflag:s0] =	ssyncadd.tile.s32 @!p0 $0x1;
	_ =	shalt  }
.Lfunc_end1:
_tile_overlayer_lowered:
.L_overlay_start_2:
0x41: {  	(tag) =	ssettag $0x2  }
0x42: {  	s0 =	rddreg [dreg:$0x0];
	s2 =	stileid.u32  }
0x43: {  	s1 =	rddreg [dreg:$0x1];
	p0 =	sne.s32 s2, $0x0  }
0x44: {  	s3 =	rddreg [dreg:$0x2];
	[bflag:$0x3] =	sbarrier.arrive $0xFFFF;
	s2 =	simm.s32 @!p0 $0x1C01  }
0x45: {  	[timem:s3], [sflag:s2] =	dma.local @!p0 [hbm:s0], s1  }
0x46: {  	s0 =	simm.s32 @!p0 $0x1  }
0x47: {  	_ =	swait.ge @!p0 [sflag:s0], s1  }
0x48: {  	s1 =	ssub.s32 @!p0 $0x0, s1;
	[sflag:s0] =	ssyncset.done @!p0 $0x0  }
0x49: {  	[sflag:s0] =	ssyncadd.s32 @!p0 s1  }
0x4a: {  	[bflag:$0x3] =	sbarrier.arrive $0xFFFF  }
0x4b: {  	_ =	shalt  }

</sc_bundles>
